<compile_context>
chip_gen: v7x
topology: tpu7x:2x2x1
jax: 0.10.2.dev20260603
libtpu: 0.0.44.dev20260713+nightly
codegen_flags: <defaults>
</compile_context>

<pallas_src>
import functools
import math

import jax
import jax.numpy as jnp
from jax import lax
from jax.experimental import pallas as pl
from jax.experimental.pallas import tpu as pltpu
from jax.experimental.pallas import tpu_sc as plsc

VOCAB_E = 1000000
EMB_E = 64
SCALE = math.sqrt(EMB_E)

_info = plsc.get_sparse_core_info()
NC = _info.num_cores
NS = _info.num_subcores
NW = NC * NS

C = 1024


def _rsqrt_newton(t):
    i = lax.bitcast_convert_type(t, jnp.int32)
    i = jnp.int32(0x5F3759DF) - lax.shift_right_logical(i, 1)
    y = lax.bitcast_convert_type(i, jnp.float32)
    for _ in range(3):
        y = y * (1.5 - 0.5 * t * y * y)
    return y


def _make_kernel(b_total):
    assert b_total % (NW * C) == 0
    b_per_w = b_total // NW
    n_chunks = b_per_w // C
    mesh = plsc.VectorSubcoreMesh(core_axis_name="c", subcore_axis_name="s")

    @functools.partial(
        pl.kernel,
        out_type=jax.ShapeDtypeStruct((b_total, EMB_E), jnp.float32),
        mesh=mesh,
        compiler_params=pltpu.CompilerParams(use_tc_tiling_on_sc=False),
        scratch_types=[
            pltpu.VMEM((C,), jnp.int32),
            pltpu.VMEM((C, EMB_E), jnp.float32),
            pltpu.SemaphoreType.DMA,
        ],
    )
    def kern(tokens_hbm, table_hbm, out_hbm, idx_v, rows_v, sem):
        wid = lax.axis_index("s") * NC + lax.axis_index("c")
        w_base = wid * b_per_w
        lane = lax.iota(jnp.int32, 16)
        perms = [(lane + sh) & 15 for sh in (8, 4, 2, 1)]

        def hsum(v):
            for p in perms:
                v = v + v.at[p].get(mode="promise_in_bounds")
            return v

        def chunk_body(g, carry):
            base = w_base + g * C
            pltpu.sync_copy(tokens_hbm.at[pl.ds(base, C)], idx_v)
            pltpu.async_copy(table_hbm.at[idx_v], rows_v, sem).wait()

            def row_body(r, carry2):
                a0 = rows_v[r, pl.ds(0, 16)]
                a1 = rows_v[r, pl.ds(16, 16)]
                a2 = rows_v[r, pl.ds(32, 16)]
                a3 = rows_v[r, pl.ds(48, 16)]
                s = a0 * a0 + a1 * a1 + a2 * a2 + a3 * a3
                t = hsum(s)
                y = _rsqrt_newton(t)
                scale = SCALE / jnp.maximum(SCALE * t * y, 1e-12)
                rows_v[r, pl.ds(0, 16)] = a0 * scale
                rows_v[r, pl.ds(16, 16)] = a1 * scale
                rows_v[r, pl.ds(32, 16)] = a2 * scale
                rows_v[r, pl.ds(48, 16)] = a3 * scale
                return carry2

            lax.fori_loop(0, C, row_body, 0, unroll=4)
            pltpu.sync_copy(rows_v, out_hbm.at[pl.ds(base, C)])
            return carry

        lax.fori_loop(0, n_chunks, chunk_body, 0)

    return kern


def kernel(tokens, table):
    b_total = tokens.shape[0] * tokens.shape[1]
    flat = tokens.reshape((b_total,)).astype(jnp.int32)
    out = _make_kernel(b_total)(flat, table)
    return out.reshape(tokens.shape + (EMB_E,))

# --- scband reference (transcript-rebuilt; emitter-appended) ---
"""Pipeline reference for scband-token-embedding-28991029248150 (READ-ONLY COPY).

The authoritative reference and input builder live on the scoring server;
editing this copy changes nothing except your own understanding.
"""

import jax, jax.numpy as jnp
import numpy as np
import math

VOCAB = 1000000
EMB = 64

def setup_inputs(seed: int = 0) -> dict:
    key = jax.random.key(seed)
    k1, k2 = jax.random.split(key)
    tokens = jax.random.randint(k1, (16384, 200), 0, VOCAB, dtype=jnp.int64 if jax.config.jax_enable_x64 else jnp.int32)
    table = jax.random.normal(k2, (VOCAB, EMB), dtype=jnp.float32)
    return {"tokens": tokens, "table": table}

def reference(tokens, table):
    emb = jnp.take(table, tokens, axis=0) * math.sqrt(EMB)
    norm = jnp.linalg.norm(emb, ord=2, axis=-1, keepdims=True)
    return emb / jnp.maximum(norm, 1e-12)

if __name__ == "__main__":
    import jax
    _d = setup_inputs()
    print(jax.jit(kernel)(*tuple(_d.values())))

</pallas_src>

<mosaic_0001>
#map = affine_map<(d0, d1) -> (0)>
#map1 = affine_map<(d0, d1) -> (0, 0)>
module attributes {stable_mosaic.version = 14 : i64} {
  func.func @kern(%arg0: i32, %arg1: i32, %arg2: memref<3276800xi32, #tpu.memory_space<hbm>>, %arg3: memref<1000000x64xf32, #tpu.memory_space<hbm>>, %arg4: memref<3276800x64xf32, #tpu.memory_space<hbm>>, %arg5: memref<1024xi32, #tpu.memory_space<vmem>>, %arg6: memref<1024x64xf32, #tpu.memory_space<vmem>>, %arg7: memref<!tpu.dma_semaphore, #tpu.memory_space<semaphore_mem>>) attributes {dimension_semantics = [#tpu.dimension_semantics<core_parallel>, #tpu.dimension_semantics<subcore_parallel>], iteration_bounds = array<i64: 2, 16>, scalar_prefetch = 0 : i64, scratch_operands = 3 : i64, tpu.core_type = #tpu.core_type<sc_vector_subcore>, window_params = [{transform_indices = #map}, {transform_indices = #map1}, {transform_indices = #map1}]} {
    %mul3A = arith.constant 2 : i32
    %mul3A_0 = arith.muli %arg1, %mul3A : i32
    %add3A = arith.addi %mul3A_0, %arg0 : i32
    %mul3A_1 = arith.constant 102400 : i32
    %mul3A_2 = arith.muli %add3A, %mul3A_1 : i32
    %iota3A = tpu.iota {dimensions = array<i32: 0>} : vector<16xi32>
    %add3A_3 = arith.constant 8 : i32
    %add3A_4 = vector.broadcast %add3A_3 : i32 to vector<16xi32>
    %add3A_5 = arith.addi %iota3A, %add3A_4 : vector<16xi32>
    %and3A = arith.constant 15 : i32
    %and3A_6 = vector.broadcast %and3A : i32 to vector<16xi32>
    %and3A_7 = arith.andi %add3A_5, %and3A_6 : vector<16xi32>
    %add3A_8 = arith.constant 4 : i32
    %add3A_9 = vector.broadcast %add3A_8 : i32 to vector<16xi32>
    %add3A_10 = arith.addi %iota3A, %add3A_9 : vector<16xi32>
    %and3A_11 = arith.constant 15 : i32
    %and3A_12 = vector.broadcast %and3A_11 : i32 to vector<16xi32>
    %and3A_13 = arith.andi %add3A_10, %and3A_12 : vector<16xi32>
    %add3A_14 = arith.constant 2 : i32
    %add3A_15 = vector.broadcast %add3A_14 : i32 to vector<16xi32>
    %add3A_16 = arith.addi %iota3A, %add3A_15 : vector<16xi32>
    %and3A_17 = arith.constant 15 : i32
    %and3A_18 = vector.broadcast %and3A_17 : i32 to vector<16xi32>
    %and3A_19 = arith.andi %add3A_16, %and3A_18 : vector<16xi32>
    %add3A_20 = arith.constant 1 : i32
    %add3A_21 = vector.broadcast %add3A_20 : i32 to vector<16xi32>
    %add3A_22 = arith.addi %iota3A, %add3A_21 : vector<16xi32>
    %and3A_23 = arith.constant 15 : i32
    %and3A_24 = vector.broadcast %and3A_23 : i32 to vector<16xi32>
    %and3A_25 = arith.andi %add3A_22, %and3A_24 : vector<16xi32>
    %scan3A = arith.constant 0 : i32
    %scan3A_26 = arith.constant 0 : i32
    %scan3A_27 = arith.constant 100 : i32
    %scan3A_28 = arith.addi %scan3A_26, %scan3A_27 : i32
    %scan3A_29 = arith.constant 1 : i32
    scf.for %scan3A_31 = %scan3A_26 to %scan3A_28 step %scan3A_29  : i32 {
      %mul3A_32 = arith.constant 1024 : i32
      %mul3A_33 = arith.muli %scan3A_31, %mul3A_32 : i32
      %add3A_34 = arith.addi %mul3A_2, %mul3A_33 : i32
      "tpu.region"() ({
        %run_scoped3A = tpu.sem_alloc : memref<!tpu.dma_semaphore, #tpu.memory_space<semaphore_mem>>
        %dma_start3A_45 = tpu.memref_slice %arg2[%add3A_34] : memref<3276800xi32, #tpu.memory_space<hbm>> -> memref<1024xi32, #tpu.memory_space<hbm>>
        %dma_start3A_46 = tpu.memref_slice %arg2[%add3A_34] : memref<3276800xi32, #tpu.memory_space<hbm>> -> memref<1024xi32, #tpu.memory_space<hbm>>
        tpu.enqueue_dma source(%dma_start3A_46 : memref<1024xi32, #tpu.memory_space<hbm>>) target(%arg5 : memref<1024xi32, #tpu.memory_space<vmem>>) target_semaphore(%run_scoped3A : memref<!tpu.dma_semaphore, #tpu.memory_space<semaphore_mem>>)
        %dma_wait3A_47 = tpu.memref_slice %arg2[%add3A_34] : memref<3276800xi32, #tpu.memory_space<hbm>> -> memref<1024xi32, #tpu.memory_space<hbm>>
        %dma_wait3A_48 = tpu.memref_slice %arg2[%add3A_34] : memref<3276800xi32, #tpu.memory_space<hbm>> -> memref<1024xi32, #tpu.memory_space<hbm>>
        tpu.wait_dma2 semaphore(%run_scoped3A : memref<!tpu.dma_semaphore, #tpu.memory_space<semaphore_mem>>) src(%dma_wait3A_48 : memref<1024xi32, #tpu.memory_space<hbm>>) dst(%arg5 : memref<1024xi32, #tpu.memory_space<vmem>>)
        tpu.yield
      }) : () -> ()
      %dma_start3A = arith.constant 0 : i32
      %dma_start3A_35 = arith.constant 0 : i32
      %dma_start3A_36 = tpu.memref_slice %arg3[%dma_start3A, %dma_start3A_35] : memref<1000000x64xf32, #tpu.memory_space<hbm>> -> memref<1000000x64xf32, #tpu.memory_space<hbm>>
      tpu.enqueue_indirect_dma source(%dma_start3A_36 : memref<1000000x64xf32, #tpu.memory_space<hbm>>) target(%arg6 : memref<1024x64xf32, #tpu.memory_space<vmem>>) offsets(%arg5 : memref<1024xi32, #tpu.memory_space<vmem>>) semaphore(%arg7 : memref<!tpu.dma_semaphore, #tpu.memory_space<semaphore_mem>>)
      %dma_wait3A = arith.constant 0 : i32
      %dma_wait3A_37 = arith.constant 0 : i32
      %dma_wait3A_38 = tpu.memref_slice %arg3[%dma_wait3A, %dma_wait3A_37] : memref<1000000x64xf32, #tpu.memory_space<hbm>> -> memref<1000000x64xf32, #tpu.memory_space<hbm>>
      tpu.wait_indirect_dma semaphore(%arg7 : memref<!tpu.dma_semaphore, #tpu.memory_space<semaphore_mem>>) src(%dma_wait3A_38 : memref<1000000x64xf32, #tpu.memory_space<hbm>>) dst(%arg6 : memref<1024x64xf32, #tpu.memory_space<vmem>>)
      %scan3A_39 = arith.constant 0 : i32
      %scan3A_40 = arith.constant 0 : i32
      %scan3A_41 = arith.constant 1024 : i32
      %scan3A_42 = arith.addi %scan3A_40, %scan3A_41 : i32
      %scan3A_43 = arith.constant 4 : i32
      scf.for %scan3A_45 = %scan3A_40 to %scan3A_42 step %scan3A_43  : i32 {
        %get3A = arith.index_cast %scan3A_45 : i32 to index
        %get3A_46 = arith.constant 0 : index
        %get3A_47 = tpu.vector_load %arg6[%get3A, %get3A_46] {strides = array<i32>} : memref<1024x64xf32, #tpu.memory_space<vmem>>, vector<1x16xf32>,
        %get3A_48 = vector.shape_cast %get3A_47 : vector<1x16xf32> to vector<16xf32>
        %get3A_49 = arith.index_cast %scan3A_45 : i32 to index
        %get3A_50 = arith.constant 16 : index
        %get3A_51 = tpu.vector_load %arg6[%get3A_49, %get3A_50] {strides = array<i32>} : memref<1024x64xf32, #tpu.memory_space<vmem>>, vector<1x16xf32>,
        %get3A_52 = vector.shape_cast %get3A_51 : vector<1x16xf32> to vector<16xf32>
        %get3A_53 = arith.index_cast %scan3A_45 : i32 to index
        %get3A_54 = arith.constant 32 : index
        %get3A_55 = tpu.vector_load %arg6[%get3A_53, %get3A_54] {strides = array<i32>} : memref<1024x64xf32, #tpu.memory_space<vmem>>, vector<1x16xf32>,
        %get3A_56 = vector.shape_cast %get3A_55 : vector<1x16xf32> to vector<16xf32>
        %get3A_57 = arith.index_cast %scan3A_45 : i32 to index
        %get3A_58 = arith.constant 48 : index
        %get3A_59 = tpu.vector_load %arg6[%get3A_57, %get3A_58] {strides = array<i32>} : memref<1024x64xf32, #tpu.memory_space<vmem>>, vector<1x16xf32>,
        %get3A_60 = vector.shape_cast %get3A_59 : vector<1x16xf32> to vector<16xf32>
        %mul3A_61 = arith.mulf %get3A_48, %get3A_48 : vector<16xf32>
        %mul3A_62 = arith.mulf %get3A_52, %get3A_52 : vector<16xf32>
        %add3A_63 = arith.addf %mul3A_61, %mul3A_62 : vector<16xf32>
        %mul3A_64 = arith.mulf %get3A_56, %get3A_56 : vector<16xf32>
        %add3A_65 = arith.addf %add3A_63, %mul3A_64 : vector<16xf32>
        %mul3A_66 = arith.mulf %get3A_60, %get3A_60 : vector<16xf32>
        %add3A_67 = arith.addf %add3A_65, %mul3A_66 : vector<16xf32>
        %lt3A = arith.constant 0 : i32
        %lt3A_68 = vector.broadcast %lt3A : i32 to vector<16xi32>
        %lt3A_69 = arith.cmpi slt, %and3A_7, %lt3A_68 : vector<16xi32>
        %add3A_70 = arith.constant 16 : i32
        %add3A_71 = vector.broadcast %add3A_70 : i32 to vector<16xi32>
        %add3A_72 = arith.addi %and3A_7, %add3A_71 : vector<16xi32>
        %select_n3A = arith.select %lt3A_69, %add3A_72, %and3A_7 : vector<16xi1>, vector<16xi32>
        %broadcast_in_dim3A = vector.shape_cast %select_n3A : vector<16xi32> to vector<16x1xi32>
        %gather3A = vector.shape_cast %broadcast_in_dim3A : vector<16x1xi32> to vector<16xi32>
        %gather3A_73 = tpu.dynamic_gather %add3A_67[%gather3A] in [0] : vector<16xf32>, vector<16xi32> -> vector<16xf32>
        %add3A_74 = arith.addf %add3A_67, %gather3A_73 : vector<16xf32>
        %lt3A_75 = arith.constant 0 : i32
        %lt3A_76 = vector.broadcast %lt3A_75 : i32 to vector<16xi32>
        %lt3A_77 = arith.cmpi slt, %and3A_13, %lt3A_76 : vector<16xi32>
        %add3A_78 = arith.constant 16 : i32
        %add3A_79 = vector.broadcast %add3A_78 : i32 to vector<16xi32>
        %add3A_80 = arith.addi %and3A_13, %add3A_79 : vector<16xi32>
        %select_n3A_81 = arith.select %lt3A_77, %add3A_80, %and3A_13 : vector<16xi1>, vector<16xi32>
        %broadcast_in_dim3A_82 = vector.shape_cast %select_n3A_81 : vector<16xi32> to vector<16x1xi32>
        %gather3A_83 = vector.shape_cast %broadcast_in_dim3A_82 : vector<16x1xi32> to vector<16xi32>
        %gather3A_84 = tpu.dynamic_gather %add3A_74[%gather3A_83] in [0] : vector<16xf32>, vector<16xi32> -> vector<16xf32>
        %add3A_85 = arith.addf %add3A_74, %gather3A_84 : vector<16xf32>
        %lt3A_86 = arith.constant 0 : i32
        %lt3A_87 = vector.broadcast %lt3A_86 : i32 to vector<16xi32>
        %lt3A_88 = arith.cmpi slt, %and3A_19, %lt3A_87 : vector<16xi32>
        %add3A_89 = arith.constant 16 : i32
        %add3A_90 = vector.broadcast %add3A_89 : i32 to vector<16xi32>
        %add3A_91 = arith.addi %and3A_19, %add3A_90 : vector<16xi32>
        %select_n3A_92 = arith.select %lt3A_88, %add3A_91, %and3A_19 : vector<16xi1>, vector<16xi32>
        %broadcast_in_dim3A_93 = vector.shape_cast %select_n3A_92 : vector<16xi32> to vector<16x1xi32>
        %gather3A_94 = vector.shape_cast %broadcast_in_dim3A_93 : vector<16x1xi32> to vector<16xi32>
        %gather3A_95 = tpu.dynamic_gather %add3A_85[%gather3A_94] in [0] : vector<16xf32>, vector<16xi32> -> vector<16xf32>
        %add3A_96 = arith.addf %add3A_85, %gather3A_95 : vector<16xf32>
        %lt3A_97 = arith.constant 0 : i32
        %lt3A_98 = vector.broadcast %lt3A_97 : i32 to vector<16xi32>
        %lt3A_99 = arith.cmpi slt, %and3A_25, %lt3A_98 : vector<16xi32>
        %add3A_100 = arith.constant 16 : i32
        %add3A_101 = vector.broadcast %add3A_100 : i32 to vector<16xi32>
        %add3A_102 = arith.addi %and3A_25, %add3A_101 : vector<16xi32>
        %select_n3A_103 = arith.select %lt3A_99, %add3A_102, %and3A_25 : vector<16xi1>, vector<16xi32>
        %broadcast_in_dim3A_104 = vector.shape_cast %select_n3A_103 : vector<16xi32> to vector<16x1xi32>
        %gather3A_105 = vector.shape_cast %broadcast_in_dim3A_104 : vector<16x1xi32> to vector<16xi32>
        %gather3A_106 = tpu.dynamic_gather %add3A_96[%gather3A_105] in [0] : vector<16xf32>, vector<16xi32> -> vector<16xf32>
        %add3A_107 = arith.addf %add3A_96, %gather3A_106 : vector<16xf32>
        %bitcast_convert_type3A = tpu.bitcast %add3A_107 : vector<16xf32> -> vector<16xi32>
        %shift_right_logical3A = arith.constant 1 : i32
        %shift_right_logical3A_108 = vector.broadcast %shift_right_logical3A : i32 to vector<16xi32>
        %shift_right_logical3A_109 = arith.shrui %bitcast_convert_type3A, %shift_right_logical3A_108 : vector<16xi32>
        %sub3A = arith.constant 1597463007 : i32
        %sub3A_110 = vector.broadcast %sub3A : i32 to vector<16xi32>
        %sub3A_111 = arith.subi %sub3A_110, %shift_right_logical3A_109 : vector<16xi32>
        %bitcast_convert_type3A_112 = tpu.bitcast %sub3A_111 : vector<16xi32> -> vector<16xf32>
        %mul3A_113 = arith.constant 5.000000e-01 : f32
        %mul3A_114 = vector.broadcast %mul3A_113 : f32 to vector<16xf32>
        %mul3A_115 = arith.mulf %mul3A_114, %add3A_107 : vector<16xf32>
        %mul3A_116 = arith.mulf %mul3A_115, %bitcast_convert_type3A_112 : vector<16xf32>
        %mul3A_117 = arith.mulf %mul3A_116, %bitcast_convert_type3A_112 : vector<16xf32>
        %sub3A_118 = arith.constant 1.500000e+00 : f32
        %sub3A_119 = vector.broadcast %sub3A_118 : f32 to vector<16xf32>
        %sub3A_120 = arith.subf %sub3A_119, %mul3A_117 : vector<16xf32>
        %mul3A_121 = arith.mulf %bitcast_convert_type3A_112, %sub3A_120 : vector<16xf32>
        %mul3A_122 = arith.constant 5.000000e-01 : f32
        %mul3A_123 = vector.broadcast %mul3A_122 : f32 to vector<16xf32>
        %mul3A_124 = arith.mulf %mul3A_123, %add3A_107 : vector<16xf32>
        %mul3A_125 = arith.mulf %mul3A_124, %mul3A_121 : vector<16xf32>
        %mul3A_126 = arith.mulf %mul3A_125, %mul3A_121 : vector<16xf32>
        %sub3A_127 = arith.constant 1.500000e+00 : f32
        %sub3A_128 = vector.broadcast %sub3A_127 : f32 to vector<16xf32>
        %sub3A_129 = arith.subf %sub3A_128, %mul3A_126 : vector<16xf32>
        %mul3A_130 = arith.mulf %mul3A_121, %sub3A_129 : vector<16xf32>
        %mul3A_131 = arith.constant 5.000000e-01 : f32
        %mul3A_132 = vector.broadcast %mul3A_131 : f32 to vector<16xf32>
        %mul3A_133 = arith.mulf %mul3A_132, %add3A_107 : vector<16xf32>
        %mul3A_134 = arith.mulf %mul3A_133, %mul3A_130 : vector<16xf32>
        %mul3A_135 = arith.mulf %mul3A_134, %mul3A_130 : vector<16xf32>
        %sub3A_136 = arith.constant 1.500000e+00 : f32
        %sub3A_137 = vector.broadcast %sub3A_136 : f32 to vector<16xf32>
        %sub3A_138 = arith.subf %sub3A_137, %mul3A_135 : vector<16xf32>
        %mul3A_139 = arith.mulf %mul3A_130, %sub3A_138 : vector<16xf32>
        %mul3A_140 = arith.constant 8.000000e+00 : f32
        %mul3A_141 = vector.broadcast %mul3A_140 : f32 to vector<16xf32>
        %mul3A_142 = arith.mulf %mul3A_141, %add3A_107 : vector<16xf32>
        %mul3A_143 = arith.mulf %mul3A_142, %mul3A_139 : vector<16xf32>
        %max3A = arith.constant 9.99999996E-13 : f32
        %max3A_144 = vector.broadcast %max3A : f32 to vector<16xf32>
        %max3A_145 = arith.maximumf %mul3A_143, %max3A_144 : vector<16xf32>
        %div3A = arith.constant 8.000000e+00 : f32
        %div3A_146 = vector.broadcast %div3A : f32 to vector<16xf32>
        %div3A_147 = arith.divf %div3A_146, %max3A_145 : vector<16xf32>
        %mul3A_148 = arith.mulf %get3A_48, %div3A_147 : vector<16xf32>
        %swap3A = arith.index_cast %scan3A_45 : i32 to index
        %swap3A_149 = arith.constant 0 : index
        %swap3A_150 = tpu.vector_load %arg6[%swap3A, %swap3A_149] {strides = array<i32>} : memref<1024x64xf32, #tpu.memory_space<vmem>>, vector<1x16xf32>,
        %swap3A_151 = vector.shape_cast %swap3A_150 : vector<1x16xf32> to vector<16xf32>
        %swap3A_152 = vector.shape_cast %mul3A_148 : vector<16xf32> to vector<1x16xf32>
        tpu.vector_store %arg6[%swap3A, %swap3A_149], %swap3A_152 {strides = array<i32>} : memref<1024x64xf32, #tpu.memory_space<vmem>>, vector<1x16xf32>,
        %mul3A_153 = arith.mulf %get3A_52, %div3A_147 : vector<16xf32>
        %swap3A_154 = arith.index_cast %scan3A_45 : i32 to index
        %swap3A_155 = arith.constant 16 : index
        %swap3A_156 = tpu.vector_load %arg6[%swap3A_154, %swap3A_155] {strides = array<i32>} : memref<1024x64xf32, #tpu.memory_space<vmem>>, vector<1x16xf32>,
        %swap3A_157 = vector.shape_cast %swap3A_156 : vector<1x16xf32> to vector<16xf32>
        %swap3A_158 = vector.shape_cast %mul3A_153 : vector<16xf32> to vector<1x16xf32>
        tpu.vector_store %arg6[%swap3A_154, %swap3A_155], %swap3A_158 {strides = array<i32>} : memref<1024x64xf32, #tpu.memory_space<vmem>>, vector<1x16xf32>,
        %mul3A_159 = arith.mulf %get3A_56, %div3A_147 : vector<16xf32>
        %swap3A_160 = arith.index_cast %scan3A_45 : i32 to index
        %swap3A_161 = arith.constant 32 : index
        %swap3A_162 = tpu.vector_load %arg6[%swap3A_160, %swap3A_161] {strides = array<i32>} : memref<1024x64xf32, #tpu.memory_space<vmem>>, vector<1x16xf32>,
        %swap3A_163 = vector.shape_cast %swap3A_162 : vector<1x16xf32> to vector<16xf32>
        %swap3A_164 = vector.shape_cast %mul3A_159 : vector<16xf32> to vector<1x16xf32>
        tpu.vector_store %arg6[%swap3A_160, %swap3A_161], %swap3A_164 {strides = array<i32>} : memref<1024x64xf32, #tpu.memory_space<vmem>>, vector<1x16xf32>,
        %mul3A_165 = arith.mulf %get3A_60, %div3A_147 : vector<16xf32>
        %swap3A_166 = arith.index_cast %scan3A_45 : i32 to index
        %swap3A_167 = arith.constant 48 : index
        %swap3A_168 = tpu.vector_load %arg6[%swap3A_166, %swap3A_167] {strides = array<i32>} : memref<1024x64xf32, #tpu.memory_space<vmem>>, vector<1x16xf32>,
        %swap3A_169 = vector.shape_cast %swap3A_168 : vector<1x16xf32> to vector<16xf32>
        %swap3A_170 = vector.shape_cast %mul3A_165 : vector<16xf32> to vector<1x16xf32>
        tpu.vector_store %arg6[%swap3A_166, %swap3A_167], %swap3A_170 {strides = array<i32>} : memref<1024x64xf32, #tpu.memory_space<vmem>>, vector<1x16xf32>,
        %scan3A_171 = arith.constant 1 : i32
        %scan3A_172 = arith.addi %scan3A_45, %scan3A_171 : i32
        %get3A_173 = arith.index_cast %scan3A_172 : i32 to index
        %get3A_174 = arith.constant 0 : index
        %get3A_175 = tpu.vector_load %arg6[%get3A_173, %get3A_174] {strides = array<i32>} : memref<1024x64xf32, #tpu.memory_space<vmem>>, vector<1x16xf32>,
        %get3A_176 = vector.shape_cast %get3A_175 : vector<1x16xf32> to vector<16xf32>
        %get3A_177 = arith.index_cast %scan3A_172 : i32 to index
        %get3A_178 = arith.constant 16 : index
        %get3A_179 = tpu.vector_load %arg6[%get3A_177, %get3A_178] {strides = array<i32>} : memref<1024x64xf32, #tpu.memory_space<vmem>>, vector<1x16xf32>,
        %get3A_180 = vector.shape_cast %get3A_179 : vector<1x16xf32> to vector<16xf32>
        %get3A_181 = arith.index_cast %scan3A_172 : i32 to index
        %get3A_182 = arith.constant 32 : index
        %get3A_183 = tpu.vector_load %arg6[%get3A_181, %get3A_182] {strides = array<i32>} : memref<1024x64xf32, #tpu.memory_space<vmem>>, vector<1x16xf32>,
        %get3A_184 = vector.shape_cast %get3A_183 : vector<1x16xf32> to vector<16xf32>
        %get3A_185 = arith.index_cast %scan3A_172 : i32 to index
        %get3A_186 = arith.constant 48 : index
        %get3A_187 = tpu.vector_load %arg6[%get3A_185, %get3A_186] {strides = array<i32>} : memref<1024x64xf32, #tpu.memory_space<vmem>>, vector<1x16xf32>,
        %get3A_188 = vector.shape_cast %get3A_187 : vector<1x16xf32> to vector<16xf32>
        %mul3A_189 = arith.mulf %get3A_176, %get3A_176 : vector<16xf32>
        %mul3A_190 = arith.mulf %get3A_180, %get3A_180 : vector<16xf32>
        %add3A_191 = arith.addf %mul3A_189, %mul3A_190 : vector<16xf32>
        %mul3A_192 = arith.mulf %get3A_184, %get3A_184 : vector<16xf32>
        %add3A_193 = arith.addf %add3A_191, %mul3A_192 : vector<16xf32>
        %mul3A_194 = arith.mulf %get3A_188, %get3A_188 : vector<16xf32>
        %add3A_195 = arith.addf %add3A_193, %mul3A_194 : vector<16xf32>
        %lt3A_196 = arith.constant 0 : i32
        %lt3A_197 = vector.broadcast %lt3A_196 : i32 to vector<16xi32>
        %lt3A_198 = arith.cmpi slt, %and3A_7, %lt3A_197 : vector<16xi32>
        %add3A_199 = arith.constant 16 : i32
        %add3A_200 = vector.broadcast %add3A_199 : i32 to vector<16xi32>
        %add3A_201 = arith.addi %and3A_7, %add3A_200 : vector<16xi32>
        %select_n3A_202 = arith.select %lt3A_198, %add3A_201, %and3A_7 : vector<16xi1>, vector<16xi32>
        %broadcast_in_dim3A_203 = vector.shape_cast %select_n3A_202 : vector<16xi32> to vector<16x1xi32>
        %gather3A_204 = vector.shape_cast %broadcast_in_dim3A_203 : vector<16x1xi32> to vector<16xi32>
        %gather3A_205 = tpu.dynamic_gather %add3A_195[%gather3A_204] in [0] : vector<16xf32>, vector<16xi32> -> vector<16xf32>
        %add3A_206 = arith.addf %add3A_195, %gather3A_205 : vector<16xf32>
        %lt3A_207 = arith.constant 0 : i32
        %lt3A_208 = vector.broadcast %lt3A_207 : i32 to vector<16xi32>
        %lt3A_209 = arith.cmpi slt, %and3A_13, %lt3A_208 : vector<16xi32>
        %add3A_210 = arith.constant 16 : i32
        %add3A_211 = vector.broadcast %add3A_210 : i32 to vector<16xi32>
        %add3A_212 = arith.addi %and3A_13, %add3A_211 : vector<16xi32>
        %select_n3A_213 = arith.select %lt3A_209, %add3A_212, %and3A_13 : vector<16xi1>, vector<16xi32>
        %broadcast_in_dim3A_214 = vector.shape_cast %select_n3A_213 : vector<16xi32> to vector<16x1xi32>
        %gather3A_215 = vector.shape_cast %broadcast_in_dim3A_214 : vector<16x1xi32> to vector<16xi32>
        %gather3A_216 = tpu.dynamic_gather %add3A_206[%gather3A_215] in [0] : vector<16xf32>, vector<16xi32> -> vector<16xf32>
        %add3A_217 = arith.addf %add3A_206, %gather3A_216 : vector<16xf32>
        %lt3A_218 = arith.constant 0 : i32
        %lt3A_219 = vector.broadcast %lt3A_218 : i32 to vector<16xi32>
        %lt3A_220 = arith.cmpi slt, %and3A_19, %lt3A_219 : vector<16xi32>
        %add3A_221 = arith.constant 16 : i32
        %add3A_222 = vector.broadcast %add3A_221 : i32 to vector<16xi32>
        %add3A_223 = arith.addi %and3A_19, %add3A_222 : vector<16xi32>
        %select_n3A_224 = arith.select %lt3A_220, %add3A_223, %and3A_19 : vector<16xi1>, vector<16xi32>
        %broadcast_in_dim3A_225 = vector.shape_cast %select_n3A_224 : vector<16xi32> to vector<16x1xi32>
        %gather3A_226 = vector.shape_cast %broadcast_in_dim3A_225 : vector<16x1xi32> to vector<16xi32>
        %gather3A_227 = tpu.dynamic_gather %add3A_217[%gather3A_226] in [0] : vector<16xf32>, vector<16xi32> -> vector<16xf32>
        %add3A_228 = arith.addf %add3A_217, %gather3A_227 : vector<16xf32>
        %lt3A_229 = arith.constant 0 : i32
        %lt3A_230 = vector.broadcast %lt3A_229 : i32 to vector<16xi32>
        %lt3A_231 = arith.cmpi slt, %and3A_25, %lt3A_230 : vector<16xi32>
        %add3A_232 = arith.constant 16 : i32
        %add3A_233 = vector.broadcast %add3A_232 : i32 to vector<16xi32>
        %add3A_234 = arith.addi %and3A_25, %add3A_233 : vector<16xi32>
        %select_n3A_235 = arith.select %lt3A_231, %add3A_234, %and3A_25 : vector<16xi1>, vector<16xi32>
        %broadcast_in_dim3A_236 = vector.shape_cast %select_n3A_235 : vector<16xi32> to vector<16x1xi32>
        %gather3A_237 = vector.shape_cast %broadcast_in_dim3A_236 : vector<16x1xi32> to vector<16xi32>
        %gather3A_238 = tpu.dynamic_gather %add3A_228[%gather3A_237] in [0] : vector<16xf32>, vector<16xi32> -> vector<16xf32>
        %add3A_239 = arith.addf %add3A_228, %gather3A_238 : vector<16xf32>
        %bitcast_convert_type3A_240 = tpu.bitcast %add3A_239 : vector<16xf32> -> vector<16xi32>
        %shift_right_logical3A_241 = arith.constant 1 : i32
        %shift_right_logical3A_242 = vector.broadcast %shift_right_logical3A_241 : i32 to vector<16xi32>
        %shift_right_logical3A_243 = arith.shrui %bitcast_convert_type3A_240, %shift_right_logical3A_242 : vector<16xi32>
        %sub3A_244 = arith.constant 1597463007 : i32
        %sub3A_245 = vector.broadcast %sub3A_244 : i32 to vector<16xi32>
        %sub3A_246 = arith.subi %sub3A_245, %shift_right_logical3A_243 : vector<16xi32>
        %bitcast_convert_type3A_247 = tpu.bitcast %sub3A_246 : vector<16xi32> -> vector<16xf32>
        %mul3A_248 = arith.constant 5.000000e-01 : f32
        %mul3A_249 = vector.broadcast %mul3A_248 : f32 to vector<16xf32>
        %mul3A_250 = arith.mulf %mul3A_249, %add3A_239 : vector<16xf32>
        %mul3A_251 = arith.mulf %mul3A_250, %bitcast_convert_type3A_247 : vector<16xf32>
        %mul3A_252 = arith.mulf %mul3A_251, %bitcast_convert_type3A_247 : vector<16xf32>
        %sub3A_253 = arith.constant 1.500000e+00 : f32
        %sub3A_254 = vector.broadcast %sub3A_253 : f32 to vector<16xf32>
        %sub3A_255 = arith.subf %sub3A_254, %mul3A_252 : vector<16xf32>
        %mul3A_256 = arith.mulf %bitcast_convert_type3A_247, %sub3A_255 : vector<16xf32>
        %mul3A_257 = arith.constant 5.000000e-01 : f32
        %mul3A_258 = vector.broadcast %mul3A_257 : f32 to vector<16xf32>
        %mul3A_259 = arith.mulf %mul3A_258, %add3A_239 : vector<16xf32>
        %mul3A_260 = arith.mulf %mul3A_259, %mul3A_256 : vector<16xf32>
        %mul3A_261 = arith.mulf %mul3A_260, %mul3A_256 : vector<16xf32>
        %sub3A_262 = arith.constant 1.500000e+00 : f32
        %sub3A_263 = vector.broadcast %sub3A_262 : f32 to vector<16xf32>
        %sub3A_264 = arith.subf %sub3A_263, %mul3A_261 : vector<16xf32>
        %mul3A_265 = arith.mulf %mul3A_256, %sub3A_264 : vector<16xf32>
        %mul3A_266 = arith.constant 5.000000e-01 : f32
        %mul3A_267 = vector.broadcast %mul3A_266 : f32 to vector<16xf32>
        %mul3A_268 = arith.mulf %mul3A_267, %add3A_239 : vector<16xf32>
        %mul3A_269 = arith.mulf %mul3A_268, %mul3A_265 : vector<16xf32>
        %mul3A_270 = arith.mulf %mul3A_269, %mul3A_265 : vector<16xf32>
        %sub3A_271 = arith.constant 1.500000e+00 : f32
        %sub3A_272 = vector.broadcast %sub3A_271 : f32 to vector<16xf32>
        %sub3A_273 = arith.subf %sub3A_272, %mul3A_270 : vector<16xf32>
        %mul3A_274 = arith.mulf %mul3A_265, %sub3A_273 : vector<16xf32>
        %mul3A_275 = arith.constant 8.000000e+00 : f32
        %mul3A_276 = vector.broadcast %mul3A_275 : f32 to vector<16xf32>
        %mul3A_277 = arith.mulf %mul3A_276, %add3A_239 : vector<16xf32>
        %mul3A_278 = arith.mulf %mul3A_277, %mul3A_274 : vector<16xf32>
        %max3A_279 = arith.constant 9.99999996E-13 : f32
        %max3A_280 = vector.broadcast %max3A_279 : f32 to vector<16xf32>
        %max3A_281 = arith.maximumf %mul3A_278, %max3A_280 : vector<16xf32>
        %div3A_282 = arith.constant 8.000000e+00 : f32
        %div3A_283 = vector.broadcast %div3A_282 : f32 to vector<16xf32>
        %div3A_284 = arith.divf %div3A_283, %max3A_281 : vector<16xf32>
        %mul3A_285 = arith.mulf %get3A_176, %div3A_284 : vector<16xf32>
        %swap3A_286 = arith.index_cast %scan3A_172 : i32 to index
        %swap3A_287 = arith.constant 0 : index
        %swap3A_288 = tpu.vector_load %arg6[%swap3A_286, %swap3A_287] {strides = array<i32>} : memref<1024x64xf32, #tpu.memory_space<vmem>>, vector<1x16xf32>,
        %swap3A_289 = vector.shape_cast %swap3A_288 : vector<1x16xf32> to vector<16xf32>
        %swap3A_290 = vector.shape_cast %mul3A_285 : vector<16xf32> to vector<1x16xf32>
        tpu.vector_store %arg6[%swap3A_286, %swap3A_287], %swap3A_290 {strides = array<i32>} : memref<1024x64xf32, #tpu.memory_space<vmem>>, vector<1x16xf32>,
        %mul3A_291 = arith.mulf %get3A_180, %div3A_284 : vector<16xf32>
        %swap3A_292 = arith.index_cast %scan3A_172 : i32 to index
        %swap3A_293 = arith.constant 16 : index
        %swap3A_294 = tpu.vector_load %arg6[%swap3A_292, %swap3A_293] {strides = array<i32>} : memref<1024x64xf32, #tpu.memory_space<vmem>>, vector<1x16xf32>,
        %swap3A_295 = vector.shape_cast %swap3A_294 : vector<1x16xf32> to vector<16xf32>
        %swap3A_296 = vector.shape_cast %mul3A_291 : vector<16xf32> to vector<1x16xf32>
        tpu.vector_store %arg6[%swap3A_292, %swap3A_293], %swap3A_296 {strides = array<i32>} : memref<1024x64xf32, #tpu.memory_space<vmem>>, vector<1x16xf32>,
        %mul3A_297 = arith.mulf %get3A_184, %div3A_284 : vector<16xf32>
        %swap3A_298 = arith.index_cast %scan3A_172 : i32 to index
        %swap3A_299 = arith.constant 32 : index
        %swap3A_300 = tpu.vector_load %arg6[%swap3A_298, %swap3A_299] {strides = array<i32>} : memref<1024x64xf32, #tpu.memory_space<vmem>>, vector<1x16xf32>,
        %swap3A_301 = vector.shape_cast %swap3A_300 : vector<1x16xf32> to vector<16xf32>
        %swap3A_302 = vector.shape_cast %mul3A_297 : vector<16xf32> to vector<1x16xf32>
        tpu.vector_store %arg6[%swap3A_298, %swap3A_299], %swap3A_302 {strides = array<i32>} : memref<1024x64xf32, #tpu.memory_space<vmem>>, vector<1x16xf32>,
        %mul3A_303 = arith.mulf %get3A_188, %div3A_284 : vector<16xf32>
        %swap3A_304 = arith.index_cast %scan3A_172 : i32 to index
        %swap3A_305 = arith.constant 48 : index
        %swap3A_306 = tpu.vector_load %arg6[%swap3A_304, %swap3A_305] {strides = array<i32>} : memref<1024x64xf32, #tpu.memory_space<vmem>>, vector<1x16xf32>,
        %swap3A_307 = vector.shape_cast %swap3A_306 : vector<1x16xf32> to vector<16xf32>
        %swap3A_308 = vector.shape_cast %mul3A_303 : vector<16xf32> to vector<1x16xf32>
        tpu.vector_store %arg6[%swap3A_304, %swap3A_305], %swap3A_308 {strides = array<i32>} : memref<1024x64xf32, #tpu.memory_space<vmem>>, vector<1x16xf32>,
        %scan3A_309 = arith.constant 2 : i32
        %scan3A_310 = arith.addi %scan3A_45, %scan3A_309 : i32
        %get3A_311 = arith.index_cast %scan3A_310 : i32 to index
        %get3A_312 = arith.constant 0 : index
        %get3A_313 = tpu.vector_load %arg6[%get3A_311, %get3A_312] {strides = array<i32>} : memref<1024x64xf32, #tpu.memory_space<vmem>>, vector<1x16xf32>,
        %get3A_314 = vector.shape_cast %get3A_313 : vector<1x16xf32> to vector<16xf32>
        %get3A_315 = arith.index_cast %scan3A_310 : i32 to index
        %get3A_316 = arith.constant 16 : index
        %get3A_317 = tpu.vector_load %arg6[%get3A_315, %get3A_316] {strides = array<i32>} : memref<1024x64xf32, #tpu.memory_space<vmem>>, vector<1x16xf32>,
        %get3A_318 = vector.shape_cast %get3A_317 : vector<1x16xf32> to vector<16xf32>
        %get3A_319 = arith.index_cast %scan3A_310 : i32 to index
        %get3A_320 = arith.constant 32 : index
        %get3A_321 = tpu.vector_load %arg6[%get3A_319, %get3A_320] {strides = array<i32>} : memref<1024x64xf32, #tpu.memory_space<vmem>>, vector<1x16xf32>,
        %get3A_322 = vector.shape_cast %get3A_321 : vector<1x16xf32> to vector<16xf32>
        %get3A_323 = arith.index_cast %scan3A_310 : i32 to index
        %get3A_324 = arith.constant 48 : index
        %get3A_325 = tpu.vector_load %arg6[%get3A_323, %get3A_324] {strides = array<i32>} : memref<1024x64xf32, #tpu.memory_space<vmem>>, vector<1x16xf32>,
        %get3A_326 = vector.shape_cast %get3A_325 : vector<1x16xf32> to vector<16xf32>
        %mul3A_327 = arith.mulf %get3A_314, %get3A_314 : vector<16xf32>
        %mul3A_328 = arith.mulf %get3A_318, %get3A_318 : vector<16xf32>
        %add3A_329 = arith.addf %mul3A_327, %mul3A_328 : vector<16xf32>
        %mul3A_330 = arith.mulf %get3A_322, %get3A_322 : vector<16xf32>
        %add3A_331 = arith.addf %add3A_329, %mul3A_330 : vector<16xf32>
        %mul3A_332 = arith.mulf %get3A_326, %get3A_326 : vector<16xf32>
        %add3A_333 = arith.addf %add3A_331, %mul3A_332 : vector<16xf32>
        %lt3A_334 = arith.constant 0 : i32
        %lt3A_335 = vector.broadcast %lt3A_334 : i32 to vector<16xi32>
        %lt3A_336 = arith.cmpi slt, %and3A_7, %lt3A_335 : vector<16xi32>
        %add3A_337 = arith.constant 16 : i32
        %add3A_338 = vector.broadcast %add3A_337 : i32 to vector<16xi32>
        %add3A_339 = arith.addi %and3A_7, %add3A_338 : vector<16xi32>
        %select_n3A_340 = arith.select %lt3A_336, %add3A_339, %and3A_7 : vector<16xi1>, vector<16xi32>
        %broadcast_in_dim3A_341 = vector.shape_cast %select_n3A_340 : vector<16xi32> to vector<16x1xi32>
        %gather3A_342 = vector.shape_cast %broadcast_in_dim3A_341 : vector<16x1xi32> to vector<16xi32>
        %gather3A_343 = tpu.dynamic_gather %add3A_333[%gather3A_342] in [0] : vector<16xf32>, vector<16xi32> -> vector<16xf32>
        %add3A_344 = arith.addf %add3A_333, %gather3A_343 : vector<16xf32>
        %lt3A_345 = arith.constant 0 : i32
        %lt3A_346 = vector.broadcast %lt3A_345 : i32 to vector<16xi32>
        %lt3A_347 = arith.cmpi slt, %and3A_13, %lt3A_346 : vector<16xi32>
        %add3A_348 = arith.constant 16 : i32
        %add3A_349 = vector.broadcast %add3A_348 : i32 to vector<16xi32>
        %add3A_350 = arith.addi %and3A_13, %add3A_349 : vector<16xi32>
        %select_n3A_351 = arith.select %lt3A_347, %add3A_350, %and3A_13 : vector<16xi1>, vector<16xi32>
        %broadcast_in_dim3A_352 = vector.shape_cast %select_n3A_351 : vector<16xi32> to vector<16x1xi32>
        %gather3A_353 = vector.shape_cast %broadcast_in_dim3A_352 : vector<16x1xi32> to vector<16xi32>
        %gather3A_354 = tpu.dynamic_gather %add3A_344[%gather3A_353] in [0] : vector<16xf32>, vector<16xi32> -> vector<16xf32>
        %add3A_355 = arith.addf %add3A_344, %gather3A_354 : vector<16xf32>
        %lt3A_356 = arith.constant 0 : i32
        %lt3A_357 = vector.broadcast %lt3A_356 : i32 to vector<16xi32>
        %lt3A_358 = arith.cmpi slt, %and3A_19, %lt3A_357 : vector<16xi32>
        %add3A_359 = arith.constant 16 : i32
        %add3A_360 = vector.broadcast %add3A_359 : i32 to vector<16xi32>
        %add3A_361 = arith.addi %and3A_19, %add3A_360 : vector<16xi32>
        %select_n3A_362 = arith.select %lt3A_358, %add3A_361, %and3A_19 : vector<16xi1>, vector<16xi32>
        %broadcast_in_dim3A_363 = vector.shape_cast %select_n3A_362 : vector<16xi32> to vector<16x1xi32>
        %gather3A_364 = vector.shape_cast %broadcast_in_dim3A_363 : vector<16x1xi32> to vector<16xi32>
        %gather3A_365 = tpu.dynamic_gather %add3A_355[%gather3A_364] in [0] : vector<16xf32>, vector<16xi32> -> vector<16xf32>
        %add3A_366 = arith.addf %add3A_355, %gather3A_365 : vector<16xf32>
        %lt3A_367 = arith.constant 0 : i32
        %lt3A_368 = vector.broadcast %lt3A_367 : i32 to vector<16xi32>
        %lt3A_369 = arith.cmpi slt, %and3A_25, %lt3A_368 : vector<16xi32>
        %add3A_370 = arith.constant 16 : i32
        %add3A_371 = vector.broadcast %add3A_370 : i32 to vector<16xi32>
        %add3A_372 = arith.addi %and3A_25, %add3A_371 : vector<16xi32>
        %select_n3A_373 = arith.select %lt3A_369, %add3A_372, %and3A_25 : vector<16xi1>, vector<16xi32>
        %broadcast_in_dim3A_374 = vector.shape_cast %select_n3A_373 : vector<16xi32> to vector<16x1xi32>
        %gather3A_375 = vector.shape_cast %broadcast_in_dim3A_374 : vector<16x1xi32> to vector<16xi32>
        %gather3A_376 = tpu.dynamic_gather %add3A_366[%gather3A_375] in [0] : vector<16xf32>, vector<16xi32> -> vector<16xf32>
        %add3A_377 = arith.addf %add3A_366, %gather3A_376 : vector<16xf32>
        %bitcast_convert_type3A_378 = tpu.bitcast %add3A_377 : vector<16xf32> -> vector<16xi32>
        %shift_right_logical3A_379 = arith.constant 1 : i32
        %shift_right_logical3A_380 = vector.broadcast %shift_right_logical3A_379 : i32 to vector<16xi32>
        %shift_right_logical3A_381 = arith.shrui %bitcast_convert_type3A_378, %shift_right_logical3A_380 : vector<16xi32>
        %sub3A_382 = arith.constant 1597463007 : i32
        %sub3A_383 = vector.broadcast %sub3A_382 : i32 to vector<16xi32>
        %sub3A_384 = arith.subi %sub3A_383, %shift_right_logical3A_381 : vector<16xi32>
        %bitcast_convert_type3A_385 = tpu.bitcast %sub3A_384 : vector<16xi32> -> vector<16xf32>
        %mul3A_386 = arith.constant 5.000000e-01 : f32
        %mul3A_387 = vector.broadcast %mul3A_386 : f32 to vector<16xf32>
        %mul3A_388 = arith.mulf %mul3A_387, %add3A_377 : vector<16xf32>
        %mul3A_389 = arith.mulf %mul3A_388, %bitcast_convert_type3A_385 : vector<16xf32>
        %mul3A_390 = arith.mulf %mul3A_389, %bitcast_convert_type3A_385 : vector<16xf32>
        %sub3A_391 = arith.constant 1.500000e+00 : f32
        %sub3A_392 = vector.broadcast %sub3A_391 : f32 to vector<16xf32>
        %sub3A_393 = arith.subf %sub3A_392, %mul3A_390 : vector<16xf32>
        %mul3A_394 = arith.mulf %bitcast_convert_type3A_385, %sub3A_393 : vector<16xf32>
        %mul3A_395 = arith.constant 5.000000e-01 : f32
        %mul3A_396 = vector.broadcast %mul3A_395 : f32 to vector<16xf32>
        %mul3A_397 = arith.mulf %mul3A_396, %add3A_377 : vector<16xf32>
        %mul3A_398 = arith.mulf %mul3A_397, %mul3A_394 : vector<16xf32>
        %mul3A_399 = arith.mulf %mul3A_398, %mul3A_394 : vector<16xf32>
        %sub3A_400 = arith.constant 1.500000e+00 : f32
        %sub3A_401 = vector.broadcast %sub3A_400 : f32 to vector<16xf32>
        %sub3A_402 = arith.subf %sub3A_401, %mul3A_399 : vector<16xf32>
        %mul3A_403 = arith.mulf %mul3A_394, %sub3A_402 : vector<16xf32>
        %mul3A_404 = arith.constant 5.000000e-01 : f32
        %mul3A_405 = vector.broadcast %mul3A_404 : f32 to vector<16xf32>
        %mul3A_406 = arith.mulf %mul3A_405, %add3A_377 : vector<16xf32>
        %mul3A_407 = arith.mulf %mul3A_406, %mul3A_403 : vector<16xf32>
        %mul3A_408 = arith.mulf %mul3A_407, %mul3A_403 : vector<16xf32>
        %sub3A_409 = arith.constant 1.500000e+00 : f32
        %sub3A_410 = vector.broadcast %sub3A_409 : f32 to vector<16xf32>
        %sub3A_411 = arith.subf %sub3A_410, %mul3A_408 : vector<16xf32>
        %mul3A_412 = arith.mulf %mul3A_403, %sub3A_411 : vector<16xf32>
        %mul3A_413 = arith.constant 8.000000e+00 : f32
        %mul3A_414 = vector.broadcast %mul3A_413 : f32 to vector<16xf32>
        %mul3A_415 = arith.mulf %mul3A_414, %add3A_377 : vector<16xf32>
        %mul3A_416 = arith.mulf %mul3A_415, %mul3A_412 : vector<16xf32>
        %max3A_417 = arith.constant 9.99999996E-13 : f32
        %max3A_418 = vector.broadcast %max3A_417 : f32 to vector<16xf32>
        %max3A_419 = arith.maximumf %mul3A_416, %max3A_418 : vector<16xf32>
        %div3A_420 = arith.constant 8.000000e+00 : f32
        %div3A_421 = vector.broadcast %div3A_420 : f32 to vector<16xf32>
        %div3A_422 = arith.divf %div3A_421, %max3A_419 : vector<16xf32>
        %mul3A_423 = arith.mulf %get3A_314, %div3A_422 : vector<16xf32>
        %swap3A_424 = arith.index_cast %scan3A_310 : i32 to index
        %swap3A_425 = arith.constant 0 : index
        %swap3A_426 = tpu.vector_load %arg6[%swap3A_424, %swap3A_425] {strides = array<i32>} : memref<1024x64xf32, #tpu.memory_space<vmem>>, vector<1x16xf32>,
        %swap3A_427 = vector.shape_cast %swap3A_426 : vector<1x16xf32> to vector<16xf32>
        %swap3A_428 = vector.shape_cast %mul3A_423 : vector<16xf32> to vector<1x16xf32>
        tpu.vector_store %arg6[%swap3A_424, %swap3A_425], %swap3A_428 {strides = array<i32>} : memref<1024x64xf32, #tpu.memory_space<vmem>>, vector<1x16xf32>,
        %mul3A_429 = arith.mulf %get3A_318, %div3A_422 : vector<16xf32>
        %swap3A_430 = arith.index_cast %scan3A_310 : i32 to index
        %swap3A_431 = arith.constant 16 : index
        %swap3A_432 = tpu.vector_load %arg6[%swap3A_430, %swap3A_431] {strides = array<i32>} : memref<1024x64xf32, #tpu.memory_space<vmem>>, vector<1x16xf32>,
        %swap3A_433 = vector.shape_cast %swap3A_432 : vector<1x16xf32> to vector<16xf32>
        %swap3A_434 = vector.shape_cast %mul3A_429 : vector<16xf32> to vector<1x16xf32>
        tpu.vector_store %arg6[%swap3A_430, %swap3A_431], %swap3A_434 {strides = array<i32>} : memref<1024x64xf32, #tpu.memory_space<vmem>>, vector<1x16xf32>,
        %mul3A_435 = arith.mulf %get3A_322, %div3A_422 : vector<16xf32>
        %swap3A_436 = arith.index_cast %scan3A_310 : i32 to index
        %swap3A_437 = arith.constant 32 : index
        %swap3A_438 = tpu.vector_load %arg6[%swap3A_436, %swap3A_437] {strides = array<i32>} : memref<1024x64xf32, #tpu.memory_space<vmem>>, vector<1x16xf32>,
        %swap3A_439 = vector.shape_cast %swap3A_438 : vector<1x16xf32> to vector<16xf32>
        %swap3A_440 = vector.shape_cast %mul3A_435 : vector<16xf32> to vector<1x16xf32>
        tpu.vector_store %arg6[%swap3A_436, %swap3A_437], %swap3A_440 {strides = array<i32>} : memref<1024x64xf32, #tpu.memory_space<vmem>>, vector<1x16xf32>,
        %mul3A_441 = arith.mulf %get3A_326, %div3A_422 : vector<16xf32>
        %swap3A_442 = arith.index_cast %scan3A_310 : i32 to index
        %swap3A_443 = arith.constant 48 : index
        %swap3A_444 = tpu.vector_load %arg6[%swap3A_442, %swap3A_443] {strides = array<i32>} : memref<1024x64xf32, #tpu.memory_space<vmem>>, vector<1x16xf32>,
        %swap3A_445 = vector.shape_cast %swap3A_444 : vector<1x16xf32> to vector<16xf32>
        %swap3A_446 = vector.shape_cast %mul3A_441 : vector<16xf32> to vector<1x16xf32>
        tpu.vector_store %arg6[%swap3A_442, %swap3A_443], %swap3A_446 {strides = array<i32>} : memref<1024x64xf32, #tpu.memory_space<vmem>>, vector<1x16xf32>,
        %scan3A_447 = arith.constant 3 : i32
        %scan3A_448 = arith.addi %scan3A_45, %scan3A_447 : i32
        %get3A_449 = arith.index_cast %scan3A_448 : i32 to index
        %get3A_450 = arith.constant 0 : index
        %get3A_451 = tpu.vector_load %arg6[%get3A_449, %get3A_450] {strides = array<i32>} : memref<1024x64xf32, #tpu.memory_space<vmem>>, vector<1x16xf32>,
        %get3A_452 = vector.shape_cast %get3A_451 : vector<1x16xf32> to vector<16xf32>
        %get3A_453 = arith.index_cast %scan3A_448 : i32 to index
        %get3A_454 = arith.constant 16 : index
        %get3A_455 = tpu.vector_load %arg6[%get3A_453, %get3A_454] {strides = array<i32>} : memref<1024x64xf32, #tpu.memory_space<vmem>>, vector<1x16xf32>,
        %get3A_456 = vector.shape_cast %get3A_455 : vector<1x16xf32> to vector<16xf32>
        %get3A_457 = arith.index_cast %scan3A_448 : i32 to index
        %get3A_458 = arith.constant 32 : index
        %get3A_459 = tpu.vector_load %arg6[%get3A_457, %get3A_458] {strides = array<i32>} : memref<1024x64xf32, #tpu.memory_space<vmem>>, vector<1x16xf32>,
        %get3A_460 = vector.shape_cast %get3A_459 : vector<1x16xf32> to vector<16xf32>
        %get3A_461 = arith.index_cast %scan3A_448 : i32 to index
        %get3A_462 = arith.constant 48 : index
        %get3A_463 = tpu.vector_load %arg6[%get3A_461, %get3A_462] {strides = array<i32>} : memref<1024x64xf32, #tpu.memory_space<vmem>>, vector<1x16xf32>,
        %get3A_464 = vector.shape_cast %get3A_463 : vector<1x16xf32> to vector<16xf32>
        %mul3A_465 = arith.mulf %get3A_452, %get3A_452 : vector<16xf32>
        %mul3A_466 = arith.mulf %get3A_456, %get3A_456 : vector<16xf32>
        %add3A_467 = arith.addf %mul3A_465, %mul3A_466 : vector<16xf32>
        %mul3A_468 = arith.mulf %get3A_460, %get3A_460 : vector<16xf32>
        %add3A_469 = arith.addf %add3A_467, %mul3A_468 : vector<16xf32>
        %mul3A_470 = arith.mulf %get3A_464, %get3A_464 : vector<16xf32>
        %add3A_471 = arith.addf %add3A_469, %mul3A_470 : vector<16xf32>
        %lt3A_472 = arith.constant 0 : i32
        %lt3A_473 = vector.broadcast %lt3A_472 : i32 to vector<16xi32>
        %lt3A_474 = arith.cmpi slt, %and3A_7, %lt3A_473 : vector<16xi32>
        %add3A_475 = arith.constant 16 : i32
        %add3A_476 = vector.broadcast %add3A_475 : i32 to vector<16xi32>
        %add3A_477 = arith.addi %and3A_7, %add3A_476 : vector<16xi32>
        %select_n3A_478 = arith.select %lt3A_474, %add3A_477, %and3A_7 : vector<16xi1>, vector<16xi32>
        %broadcast_in_dim3A_479 = vector.shape_cast %select_n3A_478 : vector<16xi32> to vector<16x1xi32>
        %gather3A_480 = vector.shape_cast %broadcast_in_dim3A_479 : vector<16x1xi32> to vector<16xi32>
        %gather3A_481 = tpu.dynamic_gather %add3A_471[%gather3A_480] in [0] : vector<16xf32>, vector<16xi32> -> vector<16xf32>
        %add3A_482 = arith.addf %add3A_471, %gather3A_481 : vector<16xf32>
        %lt3A_483 = arith.constant 0 : i32
        %lt3A_484 = vector.broadcast %lt3A_483 : i32 to vector<16xi32>
        %lt3A_485 = arith.cmpi slt, %and3A_13, %lt3A_484 : vector<16xi32>
        %add3A_486 = arith.constant 16 : i32
        %add3A_487 = vector.broadcast %add3A_486 : i32 to vector<16xi32>
        %add3A_488 = arith.addi %and3A_13, %add3A_487 : vector<16xi32>
        %select_n3A_489 = arith.select %lt3A_485, %add3A_488, %and3A_13 : vector<16xi1>, vector<16xi32>
        %broadcast_in_dim3A_490 = vector.shape_cast %select_n3A_489 : vector<16xi32> to vector<16x1xi32>
        %gather3A_491 = vector.shape_cast %broadcast_in_dim3A_490 : vector<16x1xi32> to vector<16xi32>
        %gather3A_492 = tpu.dynamic_gather %add3A_482[%gather3A_491] in [0] : vector<16xf32>, vector<16xi32> -> vector<16xf32>
        %add3A_493 = arith.addf %add3A_482, %gather3A_492 : vector<16xf32>
        %lt3A_494 = arith.constant 0 : i32
        %lt3A_495 = vector.broadcast %lt3A_494 : i32 to vector<16xi32>
        %lt3A_496 = arith.cmpi slt, %and3A_19, %lt3A_495 : vector<16xi32>
        %add3A_497 = arith.constant 16 : i32
        %add3A_498 = vector.broadcast %add3A_497 : i32 to vector<16xi32>
        %add3A_499 = arith.addi %and3A_19, %add3A_498 : vector<16xi32>
        %select_n3A_500 = arith.select %lt3A_496, %add3A_499, %and3A_19 : vector<16xi1>, vector<16xi32>
        %broadcast_in_dim3A_501 = vector.shape_cast %select_n3A_500 : vector<16xi32> to vector<16x1xi32>
        %gather3A_502 = vector.shape_cast %broadcast_in_dim3A_501 : vector<16x1xi32> to vector<16xi32>
        %gather3A_503 = tpu.dynamic_gather %add3A_493[%gather3A_502] in [0] : vector<16xf32>, vector<16xi32> -> vector<16xf32>
        %add3A_504 = arith.addf %add3A_493, %gather3A_503 : vector<16xf32>
        %lt3A_505 = arith.constant 0 : i32
        %lt3A_506 = vector.broadcast %lt3A_505 : i32 to vector<16xi32>
        %lt3A_507 = arith.cmpi slt, %and3A_25, %lt3A_506 : vector<16xi32>
        %add3A_508 = arith.constant 16 : i32
        %add3A_509 = vector.broadcast %add3A_508 : i32 to vector<16xi32>
        %add3A_510 = arith.addi %and3A_25, %add3A_509 : vector<16xi32>
        %select_n3A_511 = arith.select %lt3A_507, %add3A_510, %and3A_25 : vector<16xi1>, vector<16xi32>
        %broadcast_in_dim3A_512 = vector.shape_cast %select_n3A_511 : vector<16xi32> to vector<16x1xi32>
        %gather3A_513 = vector.shape_cast %broadcast_in_dim3A_512 : vector<16x1xi32> to vector<16xi32>
        %gather3A_514 = tpu.dynamic_gather %add3A_504[%gather3A_513] in [0] : vector<16xf32>, vector<16xi32> -> vector<16xf32>
        %add3A_515 = arith.addf %add3A_504, %gather3A_514 : vector<16xf32>
        %bitcast_convert_type3A_516 = tpu.bitcast %add3A_515 : vector<16xf32> -> vector<16xi32>
        %shift_right_logical3A_517 = arith.constant 1 : i32
        %shift_right_logical3A_518 = vector.broadcast %shift_right_logical3A_517 : i32 to vector<16xi32>
        %shift_right_logical3A_519 = arith.shrui %bitcast_convert_type3A_516, %shift_right_logical3A_518 : vector<16xi32>
        %sub3A_520 = arith.constant 1597463007 : i32
        %sub3A_521 = vector.broadcast %sub3A_520 : i32 to vector<16xi32>
        %sub3A_522 = arith.subi %sub3A_521, %shift_right_logical3A_519 : vector<16xi32>
        %bitcast_convert_type3A_523 = tpu.bitcast %sub3A_522 : vector<16xi32> -> vector<16xf32>
        %mul3A_524 = arith.constant 5.000000e-01 : f32
        %mul3A_525 = vector.broadcast %mul3A_524 : f32 to vector<16xf32>
        %mul3A_526 = arith.mulf %mul3A_525, %add3A_515 : vector<16xf32>
        %mul3A_527 = arith.mulf %mul3A_526, %bitcast_convert_type3A_523 : vector<16xf32>
        %mul3A_528 = arith.mulf %mul3A_527, %bitcast_convert_type3A_523 : vector<16xf32>
        %sub3A_529 = arith.constant 1.500000e+00 : f32
        %sub3A_530 = vector.broadcast %sub3A_529 : f32 to vector<16xf32>
        %sub3A_531 = arith.subf %sub3A_530, %mul3A_528 : vector<16xf32>
        %mul3A_532 = arith.mulf %bitcast_convert_type3A_523, %sub3A_531 : vector<16xf32>
        %mul3A_533 = arith.constant 5.000000e-01 : f32
        %mul3A_534 = vector.broadcast %mul3A_533 : f32 to vector<16xf32>
        %mul3A_535 = arith.mulf %mul3A_534, %add3A_515 : vector<16xf32>
        %mul3A_536 = arith.mulf %mul3A_535, %mul3A_532 : vector<16xf32>
        %mul3A_537 = arith.mulf %mul3A_536, %mul3A_532 : vector<16xf32>
        %sub3A_538 = arith.constant 1.500000e+00 : f32
        %sub3A_539 = vector.broadcast %sub3A_538 : f32 to vector<16xf32>
        %sub3A_540 = arith.subf %sub3A_539, %mul3A_537 : vector<16xf32>
        %mul3A_541 = arith.mulf %mul3A_532, %sub3A_540 : vector<16xf32>
        %mul3A_542 = arith.constant 5.000000e-01 : f32
        %mul3A_543 = vector.broadcast %mul3A_542 : f32 to vector<16xf32>
        %mul3A_544 = arith.mulf %mul3A_543, %add3A_515 : vector<16xf32>
        %mul3A_545 = arith.mulf %mul3A_544, %mul3A_541 : vector<16xf32>
        %mul3A_546 = arith.mulf %mul3A_545, %mul3A_541 : vector<16xf32>
        %sub3A_547 = arith.constant 1.500000e+00 : f32
        %sub3A_548 = vector.broadcast %sub3A_547 : f32 to vector<16xf32>
        %sub3A_549 = arith.subf %sub3A_548, %mul3A_546 : vector<16xf32>
        %mul3A_550 = arith.mulf %mul3A_541, %sub3A_549 : vector<16xf32>
        %mul3A_551 = arith.constant 8.000000e+00 : f32
        %mul3A_552 = vector.broadcast %mul3A_551 : f32 to vector<16xf32>
        %mul3A_553 = arith.mulf %mul3A_552, %add3A_515 : vector<16xf32>
        %mul3A_554 = arith.mulf %mul3A_553, %mul3A_550 : vector<16xf32>
        %max3A_555 = arith.constant 9.99999996E-13 : f32
        %max3A_556 = vector.broadcast %max3A_555 : f32 to vector<16xf32>
        %max3A_557 = arith.maximumf %mul3A_554, %max3A_556 : vector<16xf32>
        %div3A_558 = arith.constant 8.000000e+00 : f32
        %div3A_559 = vector.broadcast %div3A_558 : f32 to vector<16xf32>
        %div3A_560 = arith.divf %div3A_559, %max3A_557 : vector<16xf32>
        %mul3A_561 = arith.mulf %get3A_452, %div3A_560 : vector<16xf32>
        %swap3A_562 = arith.index_cast %scan3A_448 : i32 to index
        %swap3A_563 = arith.constant 0 : index
        %swap3A_564 = tpu.vector_load %arg6[%swap3A_562, %swap3A_563] {strides = array<i32>} : memref<1024x64xf32, #tpu.memory_space<vmem>>, vector<1x16xf32>,
        %swap3A_565 = vector.shape_cast %swap3A_564 : vector<1x16xf32> to vector<16xf32>
        %swap3A_566 = vector.shape_cast %mul3A_561 : vector<16xf32> to vector<1x16xf32>
        tpu.vector_store %arg6[%swap3A_562, %swap3A_563], %swap3A_566 {strides = array<i32>} : memref<1024x64xf32, #tpu.memory_space<vmem>>, vector<1x16xf32>,
        %mul3A_567 = arith.mulf %get3A_456, %div3A_560 : vector<16xf32>
        %swap3A_568 = arith.index_cast %scan3A_448 : i32 to index
        %swap3A_569 = arith.constant 16 : index
        %swap3A_570 = tpu.vector_load %arg6[%swap3A_568, %swap3A_569] {strides = array<i32>} : memref<1024x64xf32, #tpu.memory_space<vmem>>, vector<1x16xf32>,
        %swap3A_571 = vector.shape_cast %swap3A_570 : vector<1x16xf32> to vector<16xf32>
        %swap3A_572 = vector.shape_cast %mul3A_567 : vector<16xf32> to vector<1x16xf32>
        tpu.vector_store %arg6[%swap3A_568, %swap3A_569], %swap3A_572 {strides = array<i32>} : memref<1024x64xf32, #tpu.memory_space<vmem>>, vector<1x16xf32>,
        %mul3A_573 = arith.mulf %get3A_460, %div3A_560 : vector<16xf32>
        %swap3A_574 = arith.index_cast %scan3A_448 : i32 to index
        %swap3A_575 = arith.constant 32 : index
        %swap3A_576 = tpu.vector_load %arg6[%swap3A_574, %swap3A_575] {strides = array<i32>} : memref<1024x64xf32, #tpu.memory_space<vmem>>, vector<1x16xf32>,
        %swap3A_577 = vector.shape_cast %swap3A_576 : vector<1x16xf32> to vector<16xf32>
        %swap3A_578 = vector.shape_cast %mul3A_573 : vector<16xf32> to vector<1x16xf32>
        tpu.vector_store %arg6[%swap3A_574, %swap3A_575], %swap3A_578 {strides = array<i32>} : memref<1024x64xf32, #tpu.memory_space<vmem>>, vector<1x16xf32>,
        %mul3A_579 = arith.mulf %get3A_464, %div3A_560 : vector<16xf32>
        %swap3A_580 = arith.index_cast %scan3A_448 : i32 to index
        %swap3A_581 = arith.constant 48 : index
        %swap3A_582 = tpu.vector_load %arg6[%swap3A_580, %swap3A_581] {strides = array<i32>} : memref<1024x64xf32, #tpu.memory_space<vmem>>, vector<1x16xf32>,
        %swap3A_583 = vector.shape_cast %swap3A_582 : vector<1x16xf32> to vector<16xf32>
        %swap3A_584 = vector.shape_cast %mul3A_579 : vector<16xf32> to vector<1x16xf32>
        tpu.vector_store %arg6[%swap3A_580, %swap3A_581], %swap3A_584 {strides = array<i32>} : memref<1024x64xf32, #tpu.memory_space<vmem>>, vector<1x16xf32>,
      }
      %scan3A_44 = arith.constant 1024 : i32
      "tpu.region"() ({
        %run_scoped3A = tpu.sem_alloc : memref<!tpu.dma_semaphore, #tpu.memory_space<semaphore_mem>>
        %dma_start3A_45 = arith.constant 0 : i32
        %dma_start3A_46 = tpu.memref_slice %arg4[%add3A_34, %dma_start3A_45] : memref<3276800x64xf32, #tpu.memory_space<hbm>> -> memref<1024x64xf32, #tpu.memory_space<hbm>>
        %dma_start3A_47 = arith.constant 0 : i32
        %dma_start3A_48 = tpu.memref_slice %arg4[%add3A_34, %dma_start3A_47] : memref<3276800x64xf32, #tpu.memory_space<hbm>> -> memref<1024x64xf32, #tpu.memory_space<hbm>>
        tpu.enqueue_dma source(%arg6 : memref<1024x64xf32, #tpu.memory_space<vmem>>) target(%dma_start3A_48 : memref<1024x64xf32, #tpu.memory_space<hbm>>) target_semaphore(%run_scoped3A : memref<!tpu.dma_semaphore, #tpu.memory_space<semaphore_mem>>)
        %dma_wait3A_49 = arith.constant 0 : i32
        %dma_wait3A_50 = tpu.memref_slice %arg4[%add3A_34, %dma_wait3A_49] : memref<3276800x64xf32, #tpu.memory_space<hbm>> -> memref<1024x64xf32, #tpu.memory_space<hbm>>
        %dma_wait3A_51 = arith.constant 0 : i32
        %dma_wait3A_52 = tpu.memref_slice %arg4[%add3A_34, %dma_wait3A_51] : memref<3276800x64xf32, #tpu.memory_space<hbm>> -> memref<1024x64xf32, #tpu.memory_space<hbm>>
        tpu.wait_dma2 semaphore(%run_scoped3A : memref<!tpu.dma_semaphore, #tpu.memory_space<semaphore_mem>>) src(%arg6 : memref<1024x64xf32, #tpu.memory_space<vmem>>) dst(%dma_wait3A_52 : memref<1024x64xf32, #tpu.memory_space<hbm>>)
        tpu.yield
      }) : () -> ()
    }
    %scan3A_30 = arith.constant 100 : i32
    return
  }
}

</mosaic_0001>

<sc_bundles>
// kernel: kernel.3.cloned.1.call-start
scs
__scs_entry_jumppad:
0x0: {  	(pc) =	sbr.rel $0x88, $3  }
0x1: {  	(tag) =	ssettag $0x0;
	lr =	simm.s32 $0x1  }
0x2: {  	[smem:$0x3F9F] =	sst lr;
	_ =	strace $0xD0000000  }
0x3: {  	_ = 	snop  }
0x4: {  	_ = 	snop  }
0x5: {  	_ = 	snop  }
0x6: {  	_ = 	snop  }
0x7: {  	_ = 	snop  }
__scs_overlays_trampoline_lowered:
0x8: {  	[smem:$0x3FAE] =	sst s0  }
0x9: {  	[smem:$0x3FAF] =	sst s1  }
0xa: {  	[smem:$0x3FB0] =	sst s2  }
0xb: {  	[smem:$0x3FB1] =	sst s3  }
0xc: {  	[smem:$0x3FB2] =	sst s4  }
0xd: {  	[smem:$0x3FB3] =	sst s5  }
0xe: {  	[smem:$0x3FB4] =	sst s6  }
0xf: {  	[smem:$0x3FB5] =	sst s7  }
0x10: {  	[smem:$0x3FB6] =	sst s8  }
0x11: {  	[smem:$0x3FB7] =	sst s9;
	s0 =	simm.s32 @!p0 $0x0  }
0x12: {  	s1 =	sld [smem:$0x3F9D];
	s0 =	simm.s32 @p0 $0x1  }
0x13: {  	[smem:$0x3FB8] =	sst s0;
	s0 =	simm.s32 @!p1 $0x0  }
0x14: {  	s2 =	sld [smem:$0x3F9C];
	s0 =	simm.s32 @p1 $0x1  }
0x15: {  	[smem:$0x3FB9] =	sst s0;
	s0 =	simm.s32 @!p2 $0x0  }
0x16: {  	s3 =	sld [smem:$0x3FDB];
	s0 =	simm.s32 @p2 $0x1  }
0x17: {  	s4 =	simm.s32 $0x1BF5;
	[smem:$0x3FBB] =	sst s0  }
0x18: {  	s0 =	sld [smem:$0x3F9E];
	_ =	swait.ge [sflag:s4], $0x0  }
0x19: {  	s7 =	sld [smem:$0x3F9F]  }
0x1a: {  	s8 =	sadd.s32 $0xFFFFE003, lr  }
0x1b: {  	s9 =	sadd.s32 $0xFFFFFEF7, lr;
	s5 =	simm.s32 $0xFFFFFFFF;
	p2 =	slt.u32 s8, $0xFFFFF086  }
0x1c: {  	p1 =	slt.u32 s9, $0xF7A;
	s5 =	simm.s32 @!p2 $0x0  }
0x1d: {  	s5 =	simm.s32 @p1 $0x1;
	p0 =	seq.s32 s7, s2  }
0x1e: {  	s7 =	smul.u32 @!p0 $0xF7A, s2;
	p2 =	seq.s32 @!p0 s5, $0x0  }
0x1f: {  	s9 =	smul.u32 $0xF7A, s1;
	s8 =	simm.s32 @!p0 $0x1BF5;
	p2 =	por !p2, p0  }
0x20: {  	[sflag:s8] =	ssyncset.s32 @!p0 $0xFFFFF086;
	s6 =	sadd.s32 @!p0 s3, s7;
	s7 =	simm.s32 @!p0 $0x108  }
0x21: {  	s3 =	sadd.s32 s3, s9;
	s6 =	sadd.s32 @!p0 $0x88, s6;
	s7 =	simm.s32 @p2 $0x1082  }
0x22: {  	[simem:s7], [sflag:s8] =	dma.local @!p0 [hbm:s6], $0xF7A  }
0x23: {  	s9 =	sor.u32 $0xD0000000, s2;
	s6 =	simm.s32 $0x108;
	_ =	swait.ge @!p0 [sflag:s8], $0x0  }
0x24: {  	s3 =	sadd.s32 $0x88, s3;
	s6 =	simm.s32 @!p1 $0x1082;
	[sflag:s4] =	ssyncset.s32 $0xFFFFF086  }
0x25: {  	[simem:s6], [sflag:s4] =	dma.local [hbm:s3], $0xF7A  }
0x26: {  	[smem:$0x3F9F] =	sst s1;
	(tag) =	ssettag s2;
	_ =	strace s9  }
0x27: {  	s1 =	sld [smem:$0x3FAF]  }
0x28: {  	s2 =	sld [smem:$0x3FB0]  }
0x29: {  	s4 =	sld [smem:$0x3FB2]  }
0x2a: {  	p0 =	seq.s32 s5, $0x0;
	s5 =	sld [smem:$0x3FB3]  }
0x2b: {  	s6 =	sld [smem:$0x3FB4]  }
0x2c: {  	s7 =	sld [smem:$0x3FB5]  }
0x2d: {  	s3 =	simm.s32 $0x108;
	s8 =	sld [smem:$0x3FB6]  }
0x2e: {  	s3 =	simm.s32 @!p0 $0x1082;
	s9 =	sld [smem:$0x3FB7]  }
0x2f: {  	lr =	sadd.s32 s0, s3;
	s0 =	sld [smem:$0x3FAE]  }
0x30: {  	s3 =	sld [smem:$0x3FB1]  }
0x31: {  	[smem:$0x3FBA] =	sst s10  }
0x32: {  	s10 =	sld [smem:$0x3FB8];
	_ =	sdelay $0x3  }
0x33: {  	p0 =	seq.s32 s10, $0x1;
	s10 =	sld [smem:$0x3FBA];
	_ =	sdelay $0x3  }
0x34: {  	[smem:$0x3FBA] =	sst s10  }
0x35: {  	s10 =	sld [smem:$0x3FB9];
	_ =	sdelay $0x3  }
0x36: {  	p1 =	seq.s32 s10, $0x1;
	s10 =	sld [smem:$0x3FBA];
	_ =	sdelay $0x3  }
0x37: {  	[smem:$0x3FBA] =	sst s10  }
0x38: {  	s10 =	sld [smem:$0x3FBB]  }
0x39: {  	_ = 	snop;
	(pc) =	sbr.ind lr, $3  }
0x3a: {  	_ = 	snop  }
0x3b: {  	_ = 	snop  }
0x3c: {  	p2 =	seq.s32 s10, $0x1;
	s10 =	sld [smem:$0x3FBA]  }
0x3d: {  	_ =	shalt  }
0x3e: {  	_ =	shalt  }
0x3f: {  	_ =	shalt  }
0x40: {  	_ =	shalt  }
0x41: {  	_ =	shalt  }
0x42: {  	_ =	shalt  }
0x43: {  	_ =	shalt  }
0x44: {  	_ =	shalt  }
0x45: {  	_ =	shalt  }
0x46: {  	_ =	shalt  }
0x47: {  	_ =	shalt  }
0x48: {  	_ =	shalt  }
0x49: {  	_ =	shalt  }
0x4a: {  	_ =	shalt  }
0x4b: {  	_ =	shalt  }
0x4c: {  	_ =	shalt  }
0x4d: {  	_ =	shalt  }
0x4e: {  	_ =	shalt  }
0x4f: {  	_ =	shalt  }
0x50: {  	_ =	shalt  }
0x51: {  	_ =	shalt  }
0x52: {  	_ =	shalt  }
0x53: {  	_ =	shalt  }
0x54: {  	_ =	shalt  }
0x55: {  	_ =	shalt  }
0x56: {  	_ =	shalt  }
0x57: {  	_ =	shalt  }
0x58: {  	_ =	shalt  }
0x59: {  	_ =	shalt  }
0x5a: {  	_ =	shalt  }
0x5b: {  	_ =	shalt  }
0x5c: {  	_ =	shalt  }
0x5d: {  	_ =	shalt  }
0x5e: {  	_ =	shalt  }
0x5f: {  	_ =	shalt  }
0x60: {  	_ =	shalt  }
0x61: {  	_ =	shalt  }
0x62: {  	_ =	shalt  }
0x63: {  	_ =	shalt  }
0x64: {  	_ =	shalt  }
0x65: {  	_ =	shalt  }
0x66: {  	_ =	shalt  }
0x67: {  	_ =	shalt  }
0x68: {  	_ =	shalt  }
0x69: {  	_ =	shalt  }
0x6a: {  	_ =	shalt  }
0x6b: {  	_ =	shalt  }
0x6c: {  	_ =	shalt  }
0x6d: {  	_ =	shalt  }
0x6e: {  	_ =	shalt  }
0x6f: {  	_ =	shalt  }
0x70: {  	_ =	shalt  }
0x71: {  	_ =	shalt  }
0x72: {  	_ =	shalt  }
0x73: {  	_ =	shalt  }
0x74: {  	_ =	shalt  }
0x75: {  	_ =	shalt  }
0x76: {  	_ =	shalt  }
0x77: {  	_ =	shalt  }
0x78: {  	_ =	shalt  }
0x79: {  	_ =	shalt  }
0x7a: {  	_ =	shalt  }
0x7b: {  	_ =	shalt  }
0x7c: {  	_ =	shalt  }
0x7d: {  	_ =	shalt  }
0x7e: {  	_ =	shalt  }
0x7f: {  	_ =	shalt  }
0x80: {  	_ =	shalt  }
0x81: {  	_ =	shalt  }
0x82: {  	_ =	shalt  }
0x83: {  	_ =	shalt  }
0x84: {  	_ =	shalt  }
0x85: {  	_ =	shalt  }
0x86: {  	_ =	shalt  }
0x87: {  	_ =	shalt  }
.Lfunc_end0:
.L_simem_size_0:
called_computation.1_lowered:
.L_overlay_start_0:
0x88: {  	s2 =	sld [smem:$0x3FD9]  }
0x89: {  	s3 =	sld [smem:$0x3FFE];
	_ =	sdelay $0x1  }
0x8a: {  	s1 =	srdreg.scid  }
0x8b: {  	s0 =	sand.u32 $0x1, s1  }
0x8c: {  	s17 =	sshll.u32 s0, $0xA;
	s2 =	sadd.s32 s3, s2  }
0x8d: {  	s2 =	sadd.s32 s2, s17  }
0x8e: {  	[smem:$0x3FC6] =	sst s2  }
0x8f: {  	_ = 	snop  }
0x90: {  	s2 =	sld [smem:$0x3FD0];
	(tm) =	ssettm $0x1  }
0x91: {  	s18 =	sld [smem:$0x3FFB];
	_ =	sdelay $0x3  }
0x92: {  	_ =	strace s18  }
0x93: {  	s3 =	sld [smem:$0x3FFC];
	_ =	sdelay $0x3  }
0x94: {  	_ =	strace s3  }
0x95: {  	s3 =	sld [smem:$0x3FFD];
	_ =	sdelay $0x3  }
0x96: {  	_ =	strace s3  }
0x97: {  	_ =	strace $0x8FFFFFFF  }
0x98: {  	s19 =	sld [smem:$0x3FDB];
	_ =	sdelay $0x1  }
0x99: {  	s4 =	simm.s32 $_scs_section_size  }
0x9a: {  	s5 =	simm.s32 $_size__tile_overlayer_lowered;
	s6 =	simm.s32 $_tile_overlayer_lowered  }
0x9b: {  	s22 =	simm.s32 $0x1BFF;
	s21 =	sshll.u32 s6, $0x1;
	s3 =	sadd.s32 s4, s19  }
0x9c: {  	s7 =	simm.s32 $0x0;
	s20 =	sshll.u32 s5, $0x1;
	s5 =	sadd.s32 s21, s3  }
0x9d: {  	[timem:s7], [sflag:s22] =	dma.local [hbm:s5], s20  }
0x9e: {  	_ =	swait.ge [sflag:s22], s20  }
0x9f: {  	s4 =	ssub.s32 $0x0, s20;
	[sflag:s22] =	ssyncset.done $0x0  }
0xa0: {  	[sflag:s22] =	ssyncadd.s32 s4;
	_ =	sdelay $0x1  }
0xa1: {  	s23 =	simm.s32 $0x1B8B  }
0xa2: {  	_ =	swait.ge [sflag:s23], $0x1  }
0xa3: {  	[sflag:s23] =	ssyncset.done $0x0  }
0xa4: {  	s25 =	simm.s32 $0x1B8E;
	s24 =	sld [smem:$0x3FFE];
	[sflag:s23] =	ssyncadd.s32 $0xFFFFFFFF  }
0xa5: {  	s26 =	simm.s32 $execute0_lowered;
	[smem:$0x3FD2] =	sst s25  }
0xa6: {  	s5 =	sshll.u32 s26, $0x1;
	_ =	strace $0x80000046;
	[dreg:$0x1] =	wrdreg $0xFFFFFFFF  }
0xa7: {  	s28 =	simm.s32 $_size_execute0_lowered;
	s3 =	sadd.s32 s3, s5;
	[dreg:$0x0] =	wrdreg $0x0  }
0xa8: {  	s5 =	sshll.u32 s28, $0x1;
	[dreg:$0x2] =	wrdreg s3  }
0xa9: {  	[dreg:$0x3] =	wrdreg s5  }
0xaa: {  	[dreg:$0x4] =	wrdreg $0xC0  }
0xab: {  	_ =	task [dreg:s7], $0x5FFFF  }
0xac: {  	[dreg:$0x1] =	wrdreg $0xFFFFFFFF  }
0xad: {  	[dreg:$0x0] =	wrdreg $0x60  }
0xae: {  	[dreg:$0x2] =	wrdreg s24  }
0xaf: {  	[dreg:$0x3] =	wrdreg s2  }
0xb0: {  	[dreg:$0x4] =	wrdreg $0x9  }
0xb1: {  	_ =	task.clear_ibuf [dreg:s7], $0x5FFFF;
	_ =	strace $0x90000046  }
0xb2: {  	s29 =	simm.s32 $0x9;
	_ =	strace $0x80000048  }
0xb3: {  	_ =	swait.ge [sflag:s29], $0x1  }
0xb4: {  	[sflag:s29] =	ssyncadd.s32 $0xFFFFFFFF  }
0xb5: {  	_ =	strace $0x90000048  }
0xb6: {  	_ =	sfence  }
0xb7: {  	s30 =	sld [smem:$0x0];
	_ =	sdelay $0x2  }
0xb8: {  	s31 =	sshll.u32 s1, $0xD;
	s1 =	sshrl.u32 s1, $0x2  }
0xb9: {  	s3 =	sand.u32 $0x4000, s31;
	s1 =	sadd.s32 s1, s30  }
0xba: {  	s0 =	sor.u32 s3, s0;
	s1 =	sshll.u32 s1, $0x11  }
0xbb: {  	s0 =	sor.u32 s1, s0  }
0xbc: {  	s0 =	sadd.s32 $0x8F2B, s0  }
0xbd: {  	[sflag:s0] =	ssyncadd.remote.s32 $0x1  }
0xbe: {  	_ =	sfence.sel $0xFFFF  }
0xbf: {  	[dreg:$0x0] =	wrdreg $0xFFFFFFFF;
	(pc) =	sbr.abs _section_cstart, $3  }
0xc0: {  	[dreg:$0x1] =	wrdreg $0xFFFFFFFF  }
0xc1: {  	_ =	task.clear_ibuf [dreg:s7], $0x2FFFF;
	_ =	strace $0x9FFFFFFF  }
0xc2: {  	(tm) =	ssettm $0x7FFFFFFF  }
0xc3: {  	_ =	shalt  }
tec
execute0_lowered:
.L_overlay_start_1:
0x0: {  	(tag) =	ssettag $0x1  }
0x1: {  	v0 =	vimm.s32 $0xFEDCBA98;
	v1 =	vimm.s32 $0x76543210  }
0x2: {  	v2 =	vimm.s32 $0x3210FEDC;
	v3 =	vimm.s32 $0xBA987654;
	v4 =	vimm.s32 $0x10FEDCBA  }
0x3: {  	v5 =	vimm.s32 $0x98765432;
	v6 =	vimm.s32 $0xFEDCBA9;
	v7 =	vimm.s32 $0x87654321  }
0x4: {  	s5 =	rddreg [dreg:$0x0];
	v0 =	vunpack.c.l.s4.s8 v0;
	v1 =	vunpack.c.l.s4.s8 v1;
	v2 =	vunpack.c.l.s4.s8 v2  }
0x5: {  	s1 =	rddreg [dreg:$0x1];
	v3 =	vunpack.c.l.s4.s8 v3;
	v4 =	vunpack.c.l.s4.s8 v4;
	v5 =	vunpack.c.l.s4.s8 v5  }
0x6: {  	s0 =	rddreg [dreg:$0x2];
	s2 =	simm.s32 $0x0;
	v6 =	vunpack.c.l.s4.s8 v6;
	v7 =	vunpack.c.l.s4.s8 v7;
	v0 =	vunpack.c.0.s8.s32 v0  }
0x7: {  	s3 =	srdreg.scid;
	s10 =	simm.s32 $0x1;
	s11 =	simm.s32 $0x0;
	v2 =	vunpack.c.0.s8.s32 v2;
	v3 =	vunpack.c.0.s8.s32 v3;
	v4 =	vunpack.c.0.s8.s32 v4  }
0x8: {  	[smem:$0x7FF] =	sst s2;
	s6 =	sand.u32 $0x1, s3;
	s3 =	stileid.u32;
	v5 =	vunpack.c.0.s8.s32 v5;
	v6 =	vunpack.c.0.s8.s32 v6;
	v7 =	vunpack.c.0.s8.s32 v7  }
0x9: {  	s4 =	sadd.s32 $0x800, s5;
	s5 =	sadd.s32 $0x64800, s5;
	s7 =	ssub.s32 $0x2, s6;
	v1 =	vunpack.c.0.s8.s32 v1;
	v2 =	vcombine.low v3, v2  }
0xa: {  	_ =	strace $0x80000047;
	s9 =	sshll.u32 s3, $0x1;
	s8 =	sshrl.u32 s7, $0x1;
	v3 =	vcombine.low v5, v4;
	v4 =	vcombine.low v7, v6;
	v0 =	vand.u32 $0xF, v0  }
0xb: {  	s6 =	sor.u32 s6, s9;
	s9 =	simm.s32 $0x400;
	s7 =	ssub.s32 s7, s8;
	v0 =	vcombine.low v0, v1  }
0xc: {  	s6 =	smul.u32 $0x19000, s6;
	s8 =	simm.s32 $0x2;
	s7 =	smax.u32 s7, $0x1;
	v1 =	vand.u32 $0xF, v2;
	v2 =	vand.u32 $0xF, v3;
	v3 =	vand.u32 $0xF, v4  }
.LBB2_1:
0xd: {  	s12 =	simm.s32 $0x0  }
.LBB2_2:
0xe: {  	s13 =	sshll.u32 s12, $0xA  }
0xf: {  	s13 =	sadd.s32 s6, s13  }
0x10: {  	s14 =	sshrl.u32 s13, $0x3  }
0x11: {  	s14 =	sadd.s32 s4, s14  }
0x12: {  	[tilespmem:s2], [sflag:$0x2] =	stream.linear.gather [hbm4b:s14+s2], $0x400, $0x38;
	[tilespmem:$0x10400] =	vst v63  }
0x13: {  	_ =	swait.ge [sflag:s8], $0x400  }
0x14: {  	[sflag:s8] =	ssyncset.done $0x0  }
0x15: {  	[sflag:s8] =	ssyncadd.s32 $0xFFFFFC00  }
0x16: {  	[tilespmem:s9], [sflag:$0x1] =	stream.indirect.gather [hbm4b:s5+s9], $0x40, s2, s9, $0xb8;
	[tilespmem:$0x10400] =	vst v63  }
0x17: {  	_ =	swait.ge [sflag:s10], $0x10000  }
0x18: {  	[sflag:s10] =	ssyncset.done $0x0  }
0x19: {  	s14 =	simm.s32 $0x480;
	[sflag:s10] =	ssyncadd.s32 $0xFFFF0000  }
0x1a: {  	v7 =	vld [tilespmem:s14+$0xFFFFFF80]  }
0x1b: {  	v10 =	vld [tilespmem:s14+$0xFFFFFF90];
	_ =	sdelay $0x1  }
0x1c: {  	v5 =	vld [tilespmem:s14+$0xFFFFFFA0];
	_ =	sdelay $0x1  }
0x1d: {  	v13 =	vld [tilespmem:s14+$0xFFFFFFB0]  }
0x1e: {  	v6 =	vmul.f32 v7, v7;
	v8 =	vmul.f32 v10, v10  }
0x1f: {  	v4 =	vld [tilespmem:s14+$0xFFFFFFD0]  }
0x20: {  	v12 =	vld [tilespmem:s14+$0xFFFFFFC0];
	v6 =	vadd.f32 v8, v6;
	v8 =	vmul.f32 v5, v5;
	_ =	sdelay $0x1  }
0x21: {  	v15 =	vld [tilespmem:s14+$0xFFFFFFE0];
	v6 =	vadd.f32 v8, v6;
	v8 =	vmul.f32 v13, v13;
	_ =	sdelay $0x1  }
0x22: {  	v16 =	vld [tilespmem:s14+$0xFFFFFFF0];
	v9 =	vadd.f32 v8, v6  }
0x23: {  	v11 =	vld [tilespmem:s14+$0x10];
	v14 =	vmul.f32 v12, v12;
	v8 =	vmul.f32 v4, v4  }
0x24: {  	v6 =	vld [tilespmem:s14+$0x0];
	v17 =	vperm.xlane v9, v0  }
0x25: {  	v18 =	vmul.f32 v15, v15;
	v14 =	vadd.f32 v8, v14  }
0x26: {  	v8 =	vld [tilespmem:s14+$0x20];
	v17 =	vadd.f32 v9, v17  }
0x27: {  	v19 =	vmul.f32 v16, v16;
	v14 =	vadd.f32 v18, v14;
	v18 =	vld [tilespmem:s14+$0x30]  }
0x28: {  	v9 =	vld [tilespmem:s14+$0x40];
	v20 =	vperm.xlane v17, v1  }
0x29: {  	v22 =	vmul.f32 v11, v11;
	v21 =	vmul.f32 v6, v6;
	v19 =	vadd.f32 v19, v14;
	v14 =	vld [tilespmem:s14+$0x50]  }
0x2a: {  	v20 =	vadd.f32 v17, v20  }
0x2b: {  	v21 =	vadd.f32 v22, v21;
	v22 =	vmul.f32 v8, v8;
	v23 =	vperm.xlane v19, v0;
	v17 =	vld [tilespmem:s14+$0x60]  }
0x2c: {  	v24 =	vperm.xlane v20, v2  }
0x2d: {  	v21 =	vadd.f32 v22, v21;
	v22 =	vmul.f32 v18, v18;
	v23 =	vadd.f32 v19, v23;
	v19 =	vld [tilespmem:s14+$0x70]  }
0x2e: {  	v25 =	vmul.f32 v14, v14;
	v20 =	vadd.f32 v20, v24;
	v24 =	vmul.f32 v9, v9  }
0x2f: {  	v21 =	vadd.f32 v22, v21;
	v26 =	vperm.xlane v23, v1  }
0x30: {  	v22 =	vperm.xlane v20, v3;
	v24 =	vadd.f32 v25, v24;
	v25 =	vmul.f32 v17, v17  }
0x31: {  	v23 =	vadd.f32 v23, v26;
	v26 =	vperm.xlane v21, v0  }
0x32: {  	v27 =	vadd.f32 v20, v22;
	v20 =	vadd.f32 v25, v24;
	v22 =	vmul.f32 v19, v19  }
0x33: {  	v24 =	vperm.xlane v23, v2;
	v21 =	vadd.f32 v21, v26  }
0x34: {  	v25 =	vshrl.u32 v27, $0x1;
	v26 =	vmul.f32 $5.000000000e-01, v27;
	v20 =	vadd.f32 v22, v20  }
0x35: {  	v23 =	vadd.f32 v23, v24;
	v24 =	vperm.xlane v21, v1;
	v22 =	vsub.s32 $0x5F3759DF, v25  }
0x36: {  	v25 =	vmul.f32 v22, v26;
	v28 =	vperm.xlane v20, v0  }
0x37: {  	v29 =	vperm.xlane v23, v3;
	v21 =	vadd.f32 v21, v24  }
0x38: {  	v24 =	vmul.f32 v22, v25;
	v20 =	vadd.f32 v20, v28  }
0x39: {  	v28 =	vadd.f32 v23, v29;
	v23 =	vperm.xlane v21, v2  }
0x3a: {  	v24 =	vsub.f32 $1.500000000e+00, v24;
	v25 =	vperm.xlane v20, v1  }
0x3b: {  	v29 =	vshrl.u32 v28, $0x1;
	v30 =	vmul.f32 $5.000000000e-01, v28;
	v21 =	vadd.f32 v21, v23  }
0x3c: {  	v23 =	vmul.f32 v22, v24;
	v24 =	vsub.s32 $0x5F3759DF, v29;
	v22 =	vadd.f32 v20, v25  }
0x3d: {  	v25 =	vperm.xlane v21, v3;
	v20 =	vmul.f32 v24, v30  }
0x3e: {  	v29 =	vmul.f32 v23, v26;
	v31 =	vperm.xlane v22, v2  }
0x3f: {  	v32 =	vmul.f32 v24, v20;
	v20 =	vadd.f32 v21, v25  }
0x40: {  	v21 =	vmul.f32 v29, v23;
	v25 =	vadd.f32 v22, v31  }
0x41: {  	v29 =	vsub.f32 $1.500000000e+00, v32;
	v31 =	vshrl.u32 v20, $0x1;
	v22 =	vmul.f32 $5.000000000e-01, v20  }
0x42: {  	v21 =	vsub.f32 $1.500000000e+00, v21;
	v31 =	vsub.s32 $0x5F3759DF, v31;
	v61 =	vperm.xlane v25, v3  }
0x43: {  	v24 =	vmul.f32 v24, v29;
	v29 =	vmul.f32 v31, v22  }
0x44: {  	v33 =	vmul.f32 v21, v23;
	v21 =	vadd.f32 v25, v61  }
0x45: {  	v25 =	vmul.f32 v24, v30;
	v29 =	vmul.f32 v31, v29  }
0x46: {  	v26 =	vmul.f32 v33, v26;
	v32 =	vshrl.u32 v21, $0x1;
	v23 =	vmul.f32 $5.000000000e-01, v21  }
0x47: {  	v25 =	vmul.f32 v25, v24;
	v29 =	vsub.f32 $1.500000000e+00, v29;
	v32 =	vsub.s32 $0x5F3759DF, v32  }
0x48: {  	v34 =	vmul.f32 v26, v33;
	v35 =	vmul.f32 v32, v23  }
0x49: {  	v25 =	vsub.f32 $1.500000000e+00, v25;
	v26 =	vmul.f32 v31, v29  }
0x4a: {  	v29 =	vsub.f32 $1.500000000e+00, v34;
	v31 =	vmul.f32 v32, v35  }
0x4b: {  	v25 =	vmul.f32 v25, v24;
	v24 =	vmul.f32 v26, v22  }
0x4c: {  	v27 =	vmul.f32 $8.000000000e+00, v27;
	v29 =	vmul.f32 v29, v33;
	v31 =	vsub.f32 $1.500000000e+00, v31  }
0x4d: {  	v30 =	vmul.f32 v25, v30;
	v62 =	vmul.f32 v24, v26  }
0x4e: {  	v63 =	vmul.f32 v29, v27;
	v27 =	vmul.f32 v32, v31  }
0x4f: {  	v29 =	vmul.f32 v30, v25;
	v30 =	vsub.f32 $1.500000000e+00, v62  }
0x50: {  	s15 =	simm.s32 $0x0;
	s16 =	simm.s32 $0x580;
	v24 =	vmul.f32 $8.000000000e+00, v28;
	v28 =	vmax.f32 v63, $9.999999960e-13;
	v31 =	vmul.f32 v27, v23  }
.LBB2_3:
0x51: {  	s15 =	sadd.s32 $0x4, s15;
	v29 =	vsub.f32 $1.500000000e+00, v29;
	v26 =	vmul.f32 v30, v26;
	(erf) = vrcp.f32 v28  }
0x52: {  	p0 =	slt.u32 s15, $0x3FC;
	v28 =	vmul.f32 v31, v27  }
0x53: {  	v25 =	vmul.f32 v29, v25;
	v22 =	vmul.f32 v26, v22  }
0x54: {  	v28 =	vsub.f32 $1.500000000e+00, v28  }
0x55: {  	v24 =	vmul.f32 v25, v24;
	v22 =	vmul.f32 v22, v26  }
0x56: {  	v25 =	vmul.f32 v28, v27  }
0x57: {  	v24 =	vmax.f32 v24, $9.999999960e-13;
	v22 =	vsub.f32 $1.500000000e+00, v22  }
0x58: {  	v23 =	vmul.f32 v25, v23;
	(erf) = vrcp.f32 v24  }
0x59: {  	v20 =	vmul.f32 $8.000000000e+00, v20;
	v22 =	vmul.f32 v22, v26  }
0x5a: {  	v23 =	vmul.f32 v23, v25;
	v24 =	vpop (erf)  }
0x5b: {  	v24 =	vmul.f32 $8.000000000e+00, v24;
	v20 =	vmul.f32 v22, v20  }
0x5c: {  	v21 =	vmul.f32 $8.000000000e+00, v21;
	v22 =	vsub.f32 $1.500000000e+00, v23  }
0x5d: {  	v7 =	vmul.f32 v24, v7;
	v10 =	vmul.f32 v24, v10;
	v20 =	vmax.f32 v20, $9.999999960e-13  }
0x5e: {  	v22 =	vmul.f32 v22, v25;
	(erf) = vrcp.f32 v20  }
0x5f: {  	v5 =	vmul.f32 v24, v5;
	v13 =	vmul.f32 v24, v13;
	[tilespmem:s14+$0xFFFFFF80] =	vst v7  }
0x60: {  	v7 =	vld [tilespmem:s16+$0xFFFFFF80];
	[tilespmem:s14+$0xFFFFFF90] =	vst v10;
	v20 =	vmul.f32 v22, v21  }
0x61: {  	v10 =	vld [tilespmem:s16+$0xFFFFFF90];
	[tilespmem:s14+$0xFFFFFFA0] =	vst v5;
	v21 =	vpop (erf)  }
0x62: {  	v5 =	vld [tilespmem:s16+$0xFFFFFFA0];
	[tilespmem:s14+$0xFFFFFFB0] =	vst v13;
	v21 =	vmul.f32 $8.000000000e+00, v21;
	v13 =	vmax.f32 v20, $9.999999960e-13  }
0x63: {  	(erf) = vrcp.f32 v13  }
0x64: {  	v12 =	vmul.f32 v21, v12;
	v4 =	vmul.f32 v21, v4  }
0x65: {  	v15 =	vmul.f32 v21, v15;
	v16 =	vmul.f32 v21, v16;
	v13 =	vld [tilespmem:s16+$0xFFFFFFB0]  }
0x66: {  	v20 =	vmul.f32 v7, v7;
	v21 =	vmul.f32 v10, v10;
	[tilespmem:s14+$0xFFFFFFD0] =	vst v4  }
0x67: {  	v4 =	vld [tilespmem:s16+$0xFFFFFFD0];
	[tilespmem:s14+$0xFFFFFFC0] =	vst v12;
	v22 =	vpop (erf)  }
0x68: {  	v20 =	vadd.f32 v21, v20;
	v21 =	vmul.f32 v5, v5;
	v12 =	vld [tilespmem:s16+$0xFFFFFFC0];
	[tilespmem:s14+$0xFFFFFFE0] =	vst v15;
	v22 =	vmul.f32 $8.000000000e+00, v22  }
0x69: {  	[tilespmem:s14+$0xFFFFFFF0] =	vst v16  }
0x6a: {  	v16 =	vadd.f32 v21, v20;
	v20 =	vmul.f32 v13, v13;
	v15 =	vld [tilespmem:s16+$0xFFFFFFE0];
	v6 =	vmul.f32 v22, v6  }
0x6b: {  	v11 =	vmul.f32 v22, v11;
	v18 =	vmul.f32 v22, v18  }
0x6c: {  	v8 =	vmul.f32 v22, v8;
	v20 =	vadd.f32 v20, v16;
	v16 =	vld [tilespmem:s16+$0xFFFFFFF0];
	v21 =	vmul.f32 v4, v4;
	[tilespmem:s14+$0x0] =	vst v6;
	v22 =	vpop (erf)  }
0x6d: {  	v23 =	vmul.f32 v12, v12;
	v6 =	vld [tilespmem:s16+$0x0];
	[tilespmem:s14+$0x10] =	vst v11;
	v22 =	vmul.f32 $8.000000000e+00, v22  }
0x6e: {  	v24 =	vperm.xlane v20, v0;
	v11 =	vld [tilespmem:s16+$0x10];
	[tilespmem:s14+$0x20] =	vst v8  }
0x6f: {  	v21 =	vadd.f32 v21, v23;
	v23 =	vmul.f32 v15, v15;
	v8 =	vld [tilespmem:s16+$0x20];
	[tilespmem:s14+$0x30] =	vst v18;
	v9 =	vmul.f32 v22, v9  }
0x70: {  	v14 =	vmul.f32 v22, v14;
	v17 =	vmul.f32 v22, v17;
	v20 =	vadd.f32 v20, v24  }
0x71: {  	v19 =	vmul.f32 v22, v19;
	v21 =	vadd.f32 v23, v21;
	v23 =	vmul.f32 v16, v16;
	v18 =	vld [tilespmem:s16+$0x30];
	[tilespmem:s14+$0x40] =	vst v9  }
0x72: {  	v22 =	vperm.xlane v20, v1;
	v9 =	vld [tilespmem:s16+$0x40];
	[tilespmem:s14+$0x50] =	vst v14  }
0x73: {  	v21 =	vadd.f32 v23, v21;
	v23 =	vmul.f32 v6, v6;
	v24 =	vmul.f32 v11, v11;
	v14 =	vld [tilespmem:s16+$0x50];
	[tilespmem:s14+$0x70] =	vst v19  }
0x74: {  	v20 =	vadd.f32 v20, v22;
	[tilespmem:s14+$0x60] =	vst v17;
	s14 =	smov.u32 s16  }
0x75: {  	v19 =	vperm.xlane v21, v0;
	v22 =	vadd.f32 v24, v23;
	v23 =	vmul.f32 v8, v8;
	v17 =	vld [tilespmem:s16+$0x60]  }
0x76: {  	v24 =	vperm.xlane v20, v2  }
0x77: {  	v21 =	vadd.f32 v21, v19;
	v22 =	vadd.f32 v23, v22;
	v23 =	vmul.f32 v18, v18;
	v19 =	vld [tilespmem:s16+$0x70]  }
0x78: {  	v20 =	vadd.f32 v20, v24;
	v24 =	vmul.f32 v9, v9;
	v25 =	vmul.f32 v14, v14  }
0x79: {  	v26 =	vperm.xlane v21, v1;
	v22 =	vadd.f32 v23, v22  }
0x7a: {  	v23 =	vperm.xlane v20, v3;
	v24 =	vadd.f32 v25, v24;
	v25 =	vmul.f32 v17, v17  }
0x7b: {  	v21 =	vadd.f32 v21, v26;
	v26 =	vperm.xlane v22, v0  }
0x7c: {  	v27 =	vadd.f32 v20, v23;
	v20 =	vadd.f32 v25, v24;
	v23 =	vmul.f32 v19, v19  }
0x7d: {  	v24 =	vperm.xlane v21, v2;
	v22 =	vadd.f32 v22, v26  }
0x7e: {  	v25 =	vshrl.u32 v27, $0x1;
	v26 =	vmul.f32 $5.000000000e-01, v27;
	v20 =	vadd.f32 v23, v20  }
0x7f: {  	v23 =	vsub.s32 $0x5F3759DF, v25;
	v21 =	vadd.f32 v21, v24;
	v24 =	vperm.xlane v22, v1  }
0x80: {  	v25 =	vmul.f32 v23, v26;
	v28 =	vperm.xlane v20, v0  }
0x81: {  	v29 =	vperm.xlane v21, v3;
	v22 =	vadd.f32 v22, v24  }
0x82: {  	v24 =	vmul.f32 v23, v25;
	v20 =	vadd.f32 v20, v28  }
0x83: {  	v25 =	vadd.f32 v21, v29;
	v21 =	vperm.xlane v22, v2  }
0x84: {  	v24 =	vsub.f32 $1.500000000e+00, v24;
	v28 =	vperm.xlane v20, v1  }
0x85: {  	v29 =	vshrl.u32 v25, $0x1;
	v30 =	vmul.f32 $5.000000000e-01, v25;
	v21 =	vadd.f32 v22, v21  }
0x86: {  	v23 =	vmul.f32 v23, v24;
	v24 =	vsub.s32 $0x5F3759DF, v29;
	v22 =	vadd.f32 v20, v28  }
0x87: {  	v20 =	vmul.f32 v24, v30;
	v28 =	vperm.xlane v21, v3  }
0x88: {  	v29 =	vmul.f32 v23, v26;
	v31 =	vperm.xlane v22, v2  }
0x89: {  	v32 =	vmul.f32 v24, v20;
	v20 =	vadd.f32 v21, v28  }
0x8a: {  	v21 =	vmul.f32 v29, v23;
	v28 =	vadd.f32 v22, v31  }
0x8b: {  	v29 =	vsub.f32 $1.500000000e+00, v32;
	v31 =	vshrl.u32 v20, $0x1;
	v22 =	vmul.f32 $5.000000000e-01, v20  }
0x8c: {  	v21 =	vsub.f32 $1.500000000e+00, v21;
	v31 =	vsub.s32 $0x5F3759DF, v31;
	v32 =	vperm.xlane v28, v3  }
0x8d: {  	v29 =	vmul.f32 v24, v29;
	v24 =	vmul.f32 v31, v22  }
0x8e: {  	v33 =	vmul.f32 v21, v23;
	v21 =	vadd.f32 v28, v32  }
0x8f: {  	v28 =	vmul.f32 v29, v30;
	v24 =	vmul.f32 v31, v24  }
0x90: {  	v26 =	vmul.f32 v33, v26;
	v32 =	vshrl.u32 v21, $0x1;
	v23 =	vmul.f32 $5.000000000e-01, v21  }
0x91: {  	v28 =	vmul.f32 v28, v29;
	v24 =	vsub.f32 $1.500000000e+00, v24;
	v32 =	vsub.s32 $0x5F3759DF, v32  }
0x92: {  	v34 =	vmul.f32 v26, v33;
	v35 =	vmul.f32 v32, v23  }
0x93: {  	v28 =	vsub.f32 $1.500000000e+00, v28;
	v26 =	vmul.f32 v31, v24  }
0x94: {  	v24 =	vmul.f32 $8.000000000e+00, v25;
	v31 =	vsub.f32 $1.500000000e+00, v34;
	v34 =	vmul.f32 v32, v35  }
0x95: {  	v25 =	vmul.f32 v28, v29;
	v28 =	vmul.f32 v26, v22  }
.Ltmp0:
0x96: {  	v27 =	vmul.f32 $8.000000000e+00, v27;
	v29 =	vmul.f32 v31, v33;
	v31 =	vsub.f32 $1.500000000e+00, v34;
	(pc) =	sbr.rel @p0 .LBB2_3-.Ltmp0, $4  }
0x97: {  	v30 =	vmul.f32 v25, v30;
	v28 =	vmul.f32 v28, v26  }
0x98: {  	v33 =	vmul.f32 v29, v27;
	v27 =	vmul.f32 v32, v31  }
0x99: {  	v29 =	vmul.f32 v30, v25;
	v30 =	vsub.f32 $1.500000000e+00, v28  }
0x9a: {  	s16 =	sadd.s32 $0x100, s16;
	v28 =	vmax.f32 v33, $9.999999960e-13;
	v31 =	vmul.f32 v27, v23  }
0x9b: {  	_ = 	snop  }
0x9c: {  	v26 =	vmul.f32 v30, v26;
	v53 =	vmul.f32 v31, v27  }
0x9d: {  	v29 =	vsub.f32 $1.500000000e+00, v29  }
0x9e: {  	v22 =	vmul.f32 v26, v22;
	v30 =	vsub.f32 $1.500000000e+00, v53  }
0x9f: {  	v25 =	vmul.f32 v29, v25  }
0xa0: {  	v22 =	vmul.f32 v22, v26;
	v54 =	vmul.f32 v30, v27  }
0xa1: {  	(erf) = vrcp.f32 v28  }
0xa2: {  	v24 =	vmul.f32 v25, v24;
	v22 =	vsub.f32 $1.500000000e+00, v22;
	v23 =	vmul.f32 v54, v23  }
0xa3: {  	v20 =	vmul.f32 $8.000000000e+00, v20  }
0xa4: {  	v24 =	vmax.f32 v24, $9.999999960e-13;
	v22 =	vmul.f32 v22, v26;
	v23 =	vmul.f32 v23, v54  }
0xa5: {  	(erf) = vrcp.f32 v24  }
0xa6: {  	v20 =	vmul.f32 v22, v20;
	v55 =	vsub.f32 $1.500000000e+00, v23;
	_ =	sdelay $0x1  }
0xa7: {  	v21 =	vmul.f32 $8.000000000e+00, v21;
	v20 =	vmax.f32 v20, $9.999999960e-13;
	v22 =	vmul.f32 v55, v54  }
0xa8: {  	(erf) = vrcp.f32 v20  }
0xa9: {  	v56 =	vpop (erf);
	v21 =	vmul.f32 v22, v21  }
0xaa: {  	v20 =	vmul.f32 $8.000000000e+00, v56  }
0xab: {  	v21 =	vmax.f32 v21, $9.999999960e-13  }
0xac: {  	v7 =	vmul.f32 v20, v7;
	(erf) = vrcp.f32 v21  }
0xad: {  	v10 =	vmul.f32 v20, v10;
	v57 =	vpop (erf)  }
0xae: {  	v5 =	vmul.f32 v20, v5;
	[tilespmem:s14+$0xFFFFFF80] =	vst v7;
	v58 =	vmul.f32 $8.000000000e+00, v57  }
0xaf: {  	v13 =	vmul.f32 v20, v13;
	[tilespmem:s14+$0xFFFFFF90] =	vst v10  }
0xb0: {  	[tilespmem:s14+$0xFFFFFFA0] =	vst v5;
	v4 =	vmul.f32 v58, v4  }
0xb1: {  	[tilespmem:s14+$0xFFFFFFB0] =	vst v13;
	v5 =	vmul.f32 v58, v12;
	v59 =	vpop (erf)  }
0xb2: {  	v60 =	vmul.f32 v58, v15;
	[tilespmem:s14+$0xFFFFFFD0] =	vst v4;
	v4 =	vmul.f32 $8.000000000e+00, v59  }
0xb3: {  	v7 =	vmul.f32 v58, v16;
	[tilespmem:s14+$0xFFFFFFC0] =	vst v5  }
0xb4: {  	[tilespmem:s14+$0xFFFFFFE0] =	vst v60;
	v5 =	vmul.f32 v4, v6  }
0xb5: {  	[tilespmem:s14+$0xFFFFFFF0] =	vst v7;
	v61 =	vmul.f32 v4, v11;
	v62 =	vpop (erf)  }
0xb6: {  	[tilespmem:s14+$0x0] =	vst v5;
	v5 =	vmul.f32 v4, v8;
	v7 =	vmul.f32 $8.000000000e+00, v62  }
0xb7: {  	v4 =	vmul.f32 v4, v18;
	[tilespmem:s14+$0x10] =	vst v61  }
0xb8: {  	[tilespmem:s14+$0x20] =	vst v5;
	v5 =	vmul.f32 v7, v9  }
0xb9: {  	[tilespmem:s14+$0x30] =	vst v4;
	v4 =	vmul.f32 v7, v14  }
0xba: {  	v63 =	vmul.f32 v7, v17;
	[tilespmem:s14+$0x40] =	vst v5  }
0xbb: {  	s12 =	sadd.s32 $0x1, s12;
	v5 =	vmul.f32 v7, v19;
	[tilespmem:s14+$0x50] =	vst v4  }
0xbc: {  	s13 =	sshll.u32 s13, $0x3;
	p0 =	sne.s32 s12, $0x64;
	[tilespmem:s14+$0x60] =	vst v63  }
.Ltmp1:
0xbd: {  	s13 =	sadd.s32 s1, s13;
	[tilespmem:s14+$0x70] =	vst v5;
	(pc) =	sbr.rel @p0 .LBB2_2-.Ltmp1, $4  }
0xbe: {  	[hbm4b:s13+s2] =	stream.linear.scatter [tilespmem:s9], [sflag:$0x2], $0x10000, $0x38;
	[tilespmem:$0x10400] =	vst v63  }
0xbf: {  	_ =	swait.ge [sflag:s8], $0x10000  }
0xc0: {  	[sflag:s8] =	ssyncset.done $0x0  }
0xc1: {  	[sflag:s8] =	ssyncadd.s32 $0xFFFF0000  }
0xc2: {  	s11 =	sadd.s32 $0x1, s11  }
0xc3: {  	p0 =	sne.s32 s11, s7  }
.Ltmp2:
0xc4: {  	_ = 	snop;
	(pc) =	sbr.rel @p0 .LBB2_1-.Ltmp2, $1  }
0xc5: {  	_ =	sdelay $0x3  }
0xc6: {  	_ =	sfence.sel $0x180000  }
0xc7: {  	[bflag:$0x0] =	sbarrier.arrive $0xFFFF  }
0xc8: {  	p0 =	sne.s32 s3, $0x0;
	_ =	strace $0x90000047  }
0xc9: {  	s0 =	sadd.s32 @!p0 $0x100000, s0;
	[bflag:$0x2] =	sbarrier.arrive $0xFFFF  }
0xca: {  	[sflag:s0] =	ssyncadd.tile.s32 @!p0 $0x1;
	_ =	shalt  }
.Lfunc_end2:
_tile_overlayer_lowered:
.L_overlay_start_2:
0xcb: {  	(tag) =	ssettag $0x2  }
0xcc: {  	s0 =	rddreg [dreg:$0x0];
	s2 =	stileid.u32  }
0xcd: {  	s1 =	rddreg [dreg:$0x1];
	p0 =	sne.s32 s2, $0x0  }
0xce: {  	s3 =	rddreg [dreg:$0x2];
	[bflag:$0x3] =	sbarrier.arrive $0xFFFF;
	s2 =	simm.s32 @!p0 $0x1C02  }
0xcf: {  	[timem:s3], [sflag:s2] =	dma.local @!p0 [hbm:s0], s1  }
0xd0: {  	s0 =	simm.s32 @!p0 $0x2  }
0xd1: {  	_ =	swait.ge @!p0 [sflag:s0], s1  }
0xd2: {  	s1 =	ssub.s32 @!p0 $0x0, s1;
	[sflag:s0] =	ssyncset.done @!p0 $0x0  }
0xd3: {  	[sflag:s0] =	ssyncadd.s32 @!p0 s1  }
0xd4: {  	[bflag:$0x3] =	sbarrier.arrive $0xFFFF  }
0xd5: {  	_ =	shalt  }

// kernel: sparse-core-data-format-call.cloned.1.call-start
scs
called_computation_lowered:
.L_overlay_start_0:
0x0: {  	s2 =	sld [smem:$0x3FD9]  }
0x1: {  	s3 =	sld [smem:$0x3FFE];
	_ =	sdelay $0x1  }
0x2: {  	s1 =	srdreg.scid  }
0x3: {  	s0 =	sand.u32 $0x1, s1  }
0x4: {  	s18 =	sshll.u32 s0, $0xA;
	s2 =	sadd.s32 s3, s2  }
0x5: {  	s2 =	sadd.s32 s2, s18  }
0x6: {  	[smem:$0x3FC6] =	sst s2  }
0x7: {  	_ = 	snop  }
0x8: {  	s2 =	sld [smem:$0x3FD0];
	(tm) =	ssettm $0x1  }
0x9: {  	s19 =	sld [smem:$0x3FFB];
	_ =	sdelay $0x3  }
0xa: {  	_ =	strace s19  }
0xb: {  	s3 =	sld [smem:$0x3FFC];
	_ =	sdelay $0x3  }
0xc: {  	_ =	strace s3  }
0xd: {  	s3 =	sld [smem:$0x3FFD];
	_ =	sdelay $0x3  }
0xe: {  	_ =	strace s3  }
0xf: {  	_ =	strace $0x8FFFFFFF  }
0x10: {  	s20 =	sld [smem:$0x3FDB];
	_ =	sdelay $0x1  }
0x11: {  	s4 =	simm.s32 $_scs_section_size  }
0x12: {  	s5 =	simm.s32 $_size__tile_overlayer_lowered;
	s6 =	simm.s32 $_tile_overlayer_lowered  }
0x13: {  	s23 =	simm.s32 $0x1BFF;
	s22 =	sshll.u32 s6, $0x1;
	s3 =	sadd.s32 s4, s20  }
0x14: {  	s7 =	simm.s32 $0x0;
	s21 =	sshll.u32 s5, $0x1;
	s5 =	sadd.s32 s22, s3  }
0x15: {  	[timem:s7], [sflag:s23] =	dma.local [hbm:s5], s21  }
0x16: {  	_ =	swait.ge [sflag:s23], s21  }
0x17: {  	s4 =	ssub.s32 $0x0, s21;
	[sflag:s23] =	ssyncset.done $0x0  }
0x18: {  	[sflag:s23] =	ssyncadd.s32 s4;
	_ =	sdelay $0x1  }
0x19: {  	s24 =	simm.s32 $0x1B8B  }
0x1a: {  	_ =	swait.ge [sflag:s24], $0x1  }
0x1b: {  	[sflag:s24] =	ssyncset.done $0x0  }
0x1c: {  	s26 =	simm.s32 $0x1B8E;
	s25 =	sld [smem:$0x3FFE];
	[sflag:s24] =	ssyncadd.s32 $0xFFFFFFFF  }
0x1d: {  	s27 =	simm.s32 $execute0_lowered;
	[smem:$0x3FD2] =	sst s26  }
0x1e: {  	s5 =	sshll.u32 s27, $0x1;
	_ =	strace $0x80000049;
	[dreg:$0x1] =	wrdreg $0xFFFFFFFF  }
0x1f: {  	s28 =	simm.s32 $_size_execute0_lowered;
	s3 =	sadd.s32 s3, s5;
	[dreg:$0x0] =	wrdreg $0x0  }
0x20: {  	s5 =	sshll.u32 s28, $0x1;
	[dreg:$0x2] =	wrdreg s3  }
0x21: {  	[dreg:$0x3] =	wrdreg s5  }
0x22: {  	[dreg:$0x4] =	wrdreg $0xC0  }
0x23: {  	_ =	task [dreg:s7], $0x5FFFF  }
0x24: {  	[dreg:$0x1] =	wrdreg $0xFFFFFFFF  }
0x25: {  	[dreg:$0x0] =	wrdreg $0x60  }
0x26: {  	[dreg:$0x2] =	wrdreg s25  }
0x27: {  	[dreg:$0x3] =	wrdreg s2  }
0x28: {  	[dreg:$0x4] =	wrdreg $0x9  }
0x29: {  	_ =	task.clear_ibuf [dreg:s7], $0x5FFFF;
	_ =	strace $0x90000049  }
0x2a: {  	s29 =	simm.s32 $0x9;
	_ =	strace $0x8000004B  }
0x2b: {  	_ =	swait.ge [sflag:s29], $0x1  }
0x2c: {  	[sflag:s29] =	ssyncadd.s32 $0xFFFFFFFF  }
0x2d: {  	_ =	strace $0x9000004B  }
0x2e: {  	_ =	sfence  }
0x2f: {  	s30 =	sld [smem:$0x0];
	_ =	sdelay $0x2  }
0x30: {  	s31 =	sshll.u32 s1, $0xD;
	s1 =	sshrl.u32 s1, $0x2  }
0x31: {  	s3 =	sand.u32 $0x4000, s31;
	s1 =	sadd.s32 s1, s30  }
0x32: {  	s0 =	sor.u32 s3, s0;
	s1 =	sshll.u32 s1, $0x11  }
0x33: {  	s0 =	sor.u32 s1, s0  }
0x34: {  	s0 =	sadd.s32 $0x8F2B, s0  }
0x35: {  	[sflag:s0] =	ssyncadd.remote.s32 $0x1  }
0x36: {  	_ =	sfence.sel $0xFFFF  }
0x37: {  	[dreg:$0x0] =	wrdreg $0xFFFFFFFF;
	(pc) =	sbr.abs _section_cstart, $3  }
0x38: {  	[dreg:$0x1] =	wrdreg $0xFFFFFFFF  }
0x39: {  	_ =	task.clear_ibuf [dreg:s7], $0x2FFFF;
	_ =	strace $0x9FFFFFFF  }
0x3a: {  	(tm) =	ssettm $0x7FFFFFFF  }
0x3b: {  	_ =	shalt  }
tec
execute0_lowered:
.L_overlay_start_1:
0x0: {  	(tag) =	ssettag $0x1  }
0x1: {  	s0 =	srdreg.scid  }
0x2: {  	s1 =	sshll.u32 s0, $0x4  }
0x3: {  	s0 =	stileid.u32;
	s1 =	sand.u32 $0x10, s1  }
0x4: {  	s1 =	sor.u32 s0, s1  }
0x5: {  	s6 =	rddreg [dreg:$0x0];
	s4 =	simm.s32 $0x1;
	s2 =	sshll.u32 s1, $0x7  }
0x6: {  	s7 =	simm.s32 $0x2;
	s12 =	simm.s32 $0x0;
	s1 =	ssub.s32 $0x4000, s2  }
0x7: {  	s8 =	simm.s32 $0x20000;
	s13 =	simm.s32 $0x0;
	s3 =	sand.u32 $0xF80, s1  }
0x8: {  	s9 =	simm.s32 $0x0;
	s5 =	sshrl.u32 s1, $0xC;
	p0 =	sne.s32 s3, $0x0  }
.Ltmp0:
0x9: {  	s1 =	rddreg [dreg:$0x2];
	s4 =	simm.s32 @!p0 $0x0;
	(pc) =	sbr.rel .LBB1_1-.Ltmp0, $4  }
0xa: {  	s11 =	simm.s32 $0x0;
	s3 =	rddreg [dreg:$0x1];
	s5 =	sadd.s32 s4, s5  }
0xb: {  	_ =	strace $0x8000004A;
	s4 =	simm.s32 $0x1;
	s5 =	smul.u32 $0xC8, s5  }
0xc: {  	s6 =	sadd.s32 $0x800, s6;
	s10 =	smov.u32 s2;
	[sflag:s4] =	ssyncpa.u1 $0x0  }
0xd: {  	p0 =	por $0x0, $0x0;
	[sflag:s7] =	ssyncpa.u1 $0x0;
	s7 =	sor.u32 $0x1, s5  }
.LBB1_4:
0xe: {  	s16 =	sshll.u32 s13, $0x3;
	s17 =	sand.u32 $0x78, s13  }
0xf: {  	s30 =	sand.u32 $0x1F800, s13;
	s12 =	sshll.u32 s12, $0x11;
	s16 =	sand.u32 $0x3C00, s16  }
0x10: {  	[tilespmem:s15+$0x810 ss:$0x81] =	vst.msk $0xffff, v2;
	s31 =	sand.u32 $0x7, s13;
	s16 =	sor.u32 s17, s16;
	s17 =	sadd.s32 s3, s30  }
0x11: {  	[tilespmem:s15+$0x1020 ss:$0x81] =	vst.msk $0xffff, v0;
	s13 =	sshll.u32 s31, $0x12;
	s12 =	sadd.s32 s12, s17;
	s16 =	sshrl.u32 s16, $0x3  }
0x12: {  	[tilespmem:s15+$0x0 ss:$0x81] =	vst.msk $0xffff, v1;
	s13 =	sor.u32 $0x400, s13;
	s12 =	sadd.s32 s16, s12  }
0x13: {  	[hbm4b:s12+s13] =	stream.strided.scatter [tilespmem:s14], [sflag:$0x2], $0x2000, s8, s13, $0x20;
	[tilespmem:$0x8080] =	vst v63  }
.LBB1_5:
0x14: {  	s14 =	sadd.s32 $0x1, s9  }
0x15: {  	s12 =	sadd.s32 $0x1000, s10;
	s16 =	smov.u32 s10;
	p2 =	sgt.s32 s14, $0xC7  }
0x16: {  	s16 =	smov.u32 @p2 s12  }
0x17: {  	s14 =	simm.s32 @p2 $0x0;
	p2 =	sgt.s32 s16, $0x3FFF  }
0x18: {  	s16 =	smov.u32 @p2 s2;
	p2 =	sne.s32 s11, s7  }
.Ltmp1:
0x19: {  	p1 =	slt.u32 s11, $0x2;
	(pc) =	sbr.rel @!p2 .LBB1_6-.Ltmp1, $4  }
0x1a: {  	s15 =	simm.s32 @!p1 $0x2  }
0x1b: {  	s13 =	smov.u32 s10;
	p0 =	por !p0, !p0;
	_ =	swait.ge @!p1 [sflag:s15], $0x2000  }
0x1c: {  	s12 =	smov.u32 s9;
	[sflag:s15] =	ssyncset.done @!p1 $0x0;
	s9 =	smov.u32 s14  }
0x1d: {  	s11 =	sadd.s32 $0x1, s11;
	[sflag:s15] =	ssyncadd.s32 @!p1 $0xFFFFE000;
	s10 =	smov.u32 s16  }
.LBB1_1:
0x1e: {  	p1 =	sge.u32 s11, s5  }
0x1f: {  	s14 =	sand.u32 @!p1 $0x1FFFFFF, s9  }
0x20: {  	s15 =	smulhi.u32 @!p1 $0x147AE15, s14;
	_ =	sdelay $0x1  }
0x21: {  	s15 =	smul.u32 @!p1 $0xC8, s15  }
0x22: {  	s16 =	sxor.u32 @!p1 $0xFFFFFFFF, s11;
	s17 =	smul.u32 @!p1 $0xC80, s10  }
0x23: {  	s31 =	sadd.s32 $0xFFFFFFFF, s11;
	s16 =	sshll.u32 @!p1 s16, $0xD;
	s14 =	ssub.s32 @!p1 s14, s15  }
0x24: {  	s15 =	sand.u32 @!p1 $0x2000, s16;
	s16 =	sadd.s32 @!p1 s6, s17;
	s14 =	sshll.u32 @!p1 s14, $0x4  }
0x25: {  	s17 =	simm.s32 @!p1 $0x6400;
	s14 =	sadd.s32 @!p1 s14, s16;
	s16 =	simm.s32 @!p1 $0x40  }
0x26: {  	[tilespmem:s15], [sflag:$0x1] =	stream.strided.gather @!p1 [hbm4b:s14+s16], $0x2000, s17, s16, $0x38;
	[tilespmem:$0x8080] =	vst v63  }
0x27: {  	p1 =	sge.u32 s31, s5  }
.Ltmp2:
0x28: {  	_ = 	snop;
	(pc) =	sbr.rel @p1 .LBB1_5-.Ltmp2, $1  }
0x29: {  	_ =	sdelay $0x3  }
0x2a: {  	s14 =	simm.s32 $0x1  }
0x2b: {  	_ =	swait.ge [sflag:s4], $0x2000;
	s14 =	simm.s32 @!p0 $0x0  }
0x2c: {  	[sflag:s4] =	ssyncset.done $0x0;
	s15 =	sshll.u32 s14, $0xD  }
0x2d: {  	[sflag:s4] =	ssyncadd.s32 $0xFFFFE000;
	s18 =	sor.u32 $0x20, s15  }
0x2e: {  	s14 =	smul.u32 $0x8100, s14;
	v3 =	vld [tilespmem:s18+$0x10]  }
0x2f: {  	s30 =	sand.u32 $0x1, s11;
	v2 =	vld [tilespmem:s18+$0xFFFFFFF0]  }
0x30: {  	s15 =	smul.u32 $0x8100, s30;
	s14 =	sshrl.u32 s14, $0x2;
	v0 =	vld [tilespmem:s18+$0x0]  }
0x31: {  	v1 =	vld [tilespmem:s18+$0xFFFFFFE0];
	s16 =	sor.u32 $0x4000, s14  }
0x32: {  	s31 =	sshrl.u32 s15, $0x2;
	s15 =	sadd.s32 $0x0, s16  }
0x33: {  	s17 =	simm.s32 $0x4;
	s18 =	sadd.s32 $0x40, s18;
	s14 =	sor.u32 $0x4000, s31;
	[tilespmem:s15+$0x1830 ss:$0x81] =	vst.msk $0xffff, v3  }
.LBB1_3:
0x34: {  	v3 =	vld [tilespmem:s18+$0x10];
	p1 =	sne.s32 s17, $0x1FC;
	[tilespmem:s15+$0x810 ss:$0x81] =	vst.msk $0xffff, v2;
	s19 =	smov.u32 s17;
	s17 =	sadd.s32 $0x4, s17  }
.Ltmp3:
0x35: {  	v2 =	vld [tilespmem:s18+$0xFFFFFFF0];
	[tilespmem:s15+$0x1020 ss:$0x81] =	vst.msk $0xffff, v0;
	(pc) =	sbr.rel @p1 .LBB1_3-.Ltmp3, $4  }
0x36: {  	v0 =	vld [tilespmem:s18+$0x0];
	[tilespmem:s15+$0x0 ss:$0x81] =	vst.msk $0xffff, v1  }
0x37: {  	s15 =	sshra.s32 s19, $0x2;
	v1 =	vld [tilespmem:s18+$0xFFFFFFE0]  }
0x38: {  	s15 =	sadd.s32 s15, s16  }
0x39: {  	s18 =	sadd.s32 $0x40, s18;
	[tilespmem:s15+$0x1830 ss:$0x81] =	vst.msk $0xffff, v3  }
.Ltmp4:
0x3a: {  	_ = 	snop;
	(pc) =	sbr.rel .LBB1_4-.Ltmp4, $1  }
0x3b: {  	_ =	sdelay $0x3  }
.LBB1_6:
0x3c: {  	_ =	sfence.sel $0x180000  }
0x3d: {  	s2 =	simm.s32 $0x1;
	[bflag:$0x0] =	sbarrier.arrive $0xFFFF  }
0x3e: {  	s31 =	simm.s32 $0x2;
	[sflag:s2] =	ssyncpa.u1 $0x1  }
0x3f: {  	[sflag:s31] =	ssyncpa.u1 $0x1  }
0x40: {  	p0 =	sne.s32 s0, $0x0;
	_ =	strace $0x9000004A  }
0x41: {  	s0 =	sadd.s32 @!p0 $0x100000, s1;
	[bflag:$0x2] =	sbarrier.arrive $0xFFFF  }
0x42: {  	[sflag:s0] =	ssyncadd.tile.s32 @!p0 $0x1;
	_ =	shalt  }
.Lfunc_end1:
_tile_overlayer_lowered:
.L_overlay_start_2:
0x43: {  	(tag) =	ssettag $0x2  }
0x44: {  	s0 =	rddreg [dreg:$0x0];
	s2 =	stileid.u32  }
0x45: {  	s1 =	rddreg [dreg:$0x1];
	p0 =	sne.s32 s2, $0x0  }
0x46: {  	s3 =	rddreg [dreg:$0x2];
	[bflag:$0x3] =	sbarrier.arrive $0xFFFF;
	s2 =	simm.s32 @!p0 $0x1C01  }
0x47: {  	[timem:s3], [sflag:s2] =	dma.local @!p0 [hbm:s0], s1  }
0x48: {  	s0 =	simm.s32 @!p0 $0x1  }
0x49: {  	_ =	swait.ge @!p0 [sflag:s0], s1  }
0x4a: {  	s1 =	ssub.s32 @!p0 $0x0, s1;
	[sflag:s0] =	ssyncset.done @!p0 $0x0  }
0x4b: {  	[sflag:s0] =	ssyncadd.s32 @!p0 s1  }
0x4c: {  	[bflag:$0x3] =	sbarrier.arrive $0xFFFF  }
0x4d: {  	_ =	shalt  }

</sc_bundles>
